<compile_context>
chip_gen: v7x
topology: tpu7x:2x2x1
jax: 0.10.2.dev20260603
libtpu: 0.0.44.dev20260713+nightly
codegen_flags: <defaults>
</compile_context>

<pallas_src>
import functools

import jax
import jax.numpy as jnp
from jax import lax
from jax.experimental import pallas as pl
from jax.experimental.pallas import tpu as pltpu
from jax.experimental.pallas import tpu_sc as plsc

N = 10000
D_IN = 128
D_HID = 16
D_OUT = 128
E = 320000

NC = 2
NS = 16
LANES = 128
NP = 10240
EP = 327680
G = EP // (NC * NS * LANES)
G_SC0 = 94
G_SC1 = 2 * G - G_SC0
RPT = NP // NS

_MESH = plsc.VectorSubcoreMesh(
    core_axis_name="c", subcore_axis_name="s", num_cores=NC, num_subcores=NS)


def _stage_idx(ei_hbm, idx_v, c, s):
    @pl.when(c == 0)
    def _():
        pltpu.sync_copy(ei_hbm.at[pl.ds(s * G_SC0, G_SC0)], idx_v)

    @pl.when(c == 1)
    def _():
        pltpu.sync_copy(ei_hbm.at[pl.ds(NS * G_SC0 + s * G_SC1, G_SC1)],
                        idx_v.at[pl.ds(0, G_SC1)])


def _deg_body(ei_hbm, zeros_hbm, ones_hbm, out_hbm, dst_v, ones_v, acc_sh,
              dsem):
    c = lax.axis_index("c")
    s = lax.axis_index("s")
    my_g = lax.select(c == 0, G_SC0, G_SC1)
    _stage_idx(ei_hbm, dst_v, c, s)
    pltpu.sync_copy(zeros_hbm.at[pl.ds(s * RPT, RPT)],
                    acc_sh.at[pl.ds(s * RPT, RPT)])
    pltpu.sync_copy(ones_hbm, ones_v)
    plsc.subcore_barrier()

    def step(g, carry):
        b = lax.rem(g, 2)

        @pl.when(g >= 2)
        def _():
            pltpu.make_async_copy(
                ones_v, acc_sh.at[dst_v.at[g - 2]], dsem.at[b]).wait()

        pltpu.async_copy(ones_v, acc_sh.at[dst_v.at[g]], dsem.at[b], add=True)
        return carry

    lax.fori_loop(0, my_g, step, 0)
    pltpu.make_async_copy(
        ones_v, acc_sh.at[dst_v.at[my_g - 2]], dsem.at[lax.rem(my_g, 2)]).wait()
    pltpu.make_async_copy(
        ones_v, acc_sh.at[dst_v.at[my_g - 1]],
        dsem.at[lax.rem(my_g - 1, 2)]).wait()
    plsc.subcore_barrier()
    pltpu.sync_copy(acc_sh.at[pl.ds(s * RPT, RPT)],
                    out_hbm.at[c, pl.ds(s * RPT, RPT)])


_deg_call = functools.partial(
    pl.kernel, _deg_body, mesh=_MESH,
    compiler_params=pltpu.CompilerParams(use_tc_tiling_on_sc=False),
    out_type=jax.ShapeDtypeStruct((NC, NP, D_HID), jnp.float32),
    scratch_types=[
        pltpu.VMEM((G_SC0, LANES), jnp.int32),
        pltpu.VMEM((LANES, D_HID), jnp.float32),
        pltpu.VMEM_SHARED((NP, D_HID), jnp.float32),
        pltpu.SemaphoreType.DMA((2,)),
    ])()


_NB = 4


def _agg_body(u_hbm, src_hbm, dst_hbm, zeros_hbm, out_hbm,
              src_v, dst_v, rows_v, acc_sh, gsem, ssem):
    c = lax.axis_index("c")
    s = lax.axis_index("s")
    my_g = lax.select(c == 0, G_SC0, G_SC1)
    _stage_idx(src_hbm, src_v, c, s)
    _stage_idx(dst_hbm, dst_v, c, s)
    pltpu.sync_copy(zeros_hbm.at[pl.ds(s * RPT, RPT)],
                    acc_sh.at[pl.ds(s * RPT, RPT)])
    plsc.subcore_barrier()

    for b in range(_NB - 1):
        pltpu.async_copy(u_hbm.at[src_v.at[b]], rows_v.at[b], gsem.at[b])

    def step(g, carry):
        b = lax.rem(g, _NB)
        pltpu.make_async_copy(
            u_hbm.at[src_v.at[g]], rows_v.at[b], gsem.at[b]).wait()
        pltpu.async_copy(
            rows_v.at[b], acc_sh.at[dst_v.at[g]], ssem.at[b], add=True)

        @pl.when(g + _NB - 1 < my_g)
        def _():
            b2 = lax.rem(g + _NB - 1, _NB)

            @pl.when(g >= 1)
            def _():
                pltpu.make_async_copy(
                    rows_v.at[b2], acc_sh.at[dst_v.at[g - 1]],
                    ssem.at[b2]).wait()

            pltpu.async_copy(
                u_hbm.at[src_v.at[g + _NB - 1]], rows_v.at[b2], gsem.at[b2])
        return carry

    lax.fori_loop(0, my_g, step, 0)
    for k in range(_NB):
        g_last = my_g - _NB + k
        pltpu.make_async_copy(
            rows_v.at[lax.rem(g_last, _NB)], acc_sh.at[dst_v.at[g_last]],
            ssem.at[lax.rem(g_last, _NB)]).wait()
    plsc.subcore_barrier()
    pltpu.sync_copy(acc_sh.at[pl.ds(s * RPT, RPT)],
                    out_hbm.at[c, pl.ds(s * RPT, RPT)])


_agg_call = functools.partial(
    pl.kernel, _agg_body, mesh=_MESH,
    compiler_params=pltpu.CompilerParams(use_tc_tiling_on_sc=False),
    out_type=jax.ShapeDtypeStruct((NC, NP, D_HID), jnp.float32),
    scratch_types=[
        pltpu.VMEM((G_SC0, LANES), jnp.int32),
        pltpu.VMEM((G_SC0, LANES), jnp.int32),
        pltpu.VMEM((_NB, LANES, D_HID), jnp.float32),
        pltpu.VMEM_SHARED((NP, D_HID), jnp.float32),
        pltpu.SemaphoreType.DMA((_NB,)),
        pltpu.SemaphoreType.DMA((_NB,)),
    ])()


_TC_R = 1024


def _tc1_body(x_ref, w_ref, degp_ref, h_ref, u_ref, dinv_ref):
    deg = degp_ref[0] + degp_ref[1] + 1.0
    dinv = lax.rsqrt(jnp.maximum(deg, 1e-12))
    h = jnp.dot(x_ref[...], w_ref[...], preferred_element_type=jnp.float32)
    h_ref[...] = h
    u_ref[...] = h * dinv
    dinv_ref[...] = dinv


def _tc1(x_p, W1, degp):
    grid = NP // _TC_R
    return pl.pallas_call(
        _tc1_body,
        grid=(grid,),
        in_specs=[
            pl.BlockSpec((_TC_R, D_IN), lambda i: (i, 0)),
            pl.BlockSpec((D_IN, D_HID), lambda i: (0, 0)),
            pl.BlockSpec((NC, _TC_R, D_HID), lambda i: (0, i, 0)),
        ],
        out_specs=[
            pl.BlockSpec((_TC_R, D_HID), lambda i: (i, 0)),
            pl.BlockSpec((_TC_R, D_HID), lambda i: (i, 0)),
            pl.BlockSpec((_TC_R, D_HID), lambda i: (i, 0)),
        ],
        out_shape=[
            jax.ShapeDtypeStruct((NP, D_HID), jnp.float32),
            jax.ShapeDtypeStruct((NP, D_HID), jnp.float32),
            jax.ShapeDtypeStruct((NP, D_HID), jnp.float32),
        ],
    )(x_p, W1, degp)


def _tc2_body(s1p_ref, h_ref, dinv_ref, b_ref, z_ref, u2_ref):
    dinv = dinv_ref[...]
    ssum = s1p_ref[0] + s1p_ref[1]
    z = jnp.tanh(dinv * ssum + dinv * dinv * h_ref[...] + b_ref[...])
    z_ref[...] = z
    u2_ref[...] = z * dinv


def _tc2(s1p, h1, dinv, b1r):
    grid = NP // _TC_R
    return pl.pallas_call(
        _tc2_body,
        grid=(grid,),
        in_specs=[
            pl.BlockSpec((NC, _TC_R, D_HID), lambda i: (0, i, 0)),
            pl.BlockSpec((_TC_R, D_HID), lambda i: (i, 0)),
            pl.BlockSpec((_TC_R, D_HID), lambda i: (i, 0)),
            pl.BlockSpec((1, D_HID), lambda i: (0, 0)),
        ],
        out_specs=[
            pl.BlockSpec((_TC_R, D_HID), lambda i: (i, 0)),
            pl.BlockSpec((_TC_R, D_HID), lambda i: (i, 0)),
        ],
        out_shape=[
            jax.ShapeDtypeStruct((NP, D_HID), jnp.float32),
            jax.ShapeDtypeStruct((NP, D_HID), jnp.float32),
        ],
    )(s1p, h1, dinv, b1r)


def _tc3_body(s2p_ref, z_ref, dinv_ref, w_ref, b_ref, o_ref):
    dinv = dinv_ref[...]
    agg = dinv * (s2p_ref[0] + s2p_ref[1]) + dinv * dinv * z_ref[...]
    o_ref[...] = jnp.dot(agg, w_ref[...],
                         preferred_element_type=jnp.float32) + b_ref[...]


def _tc3(s2p, z1, dinv, W2, b2r):
    grid = NP // _TC_R
    return pl.pallas_call(
        _tc3_body,
        grid=(grid,),
        in_specs=[
            pl.BlockSpec((NC, _TC_R, D_HID), lambda i: (0, i, 0)),
            pl.BlockSpec((_TC_R, D_HID), lambda i: (i, 0)),
            pl.BlockSpec((_TC_R, D_HID), lambda i: (i, 0)),
            pl.BlockSpec((D_HID, D_OUT), lambda i: (0, 0)),
            pl.BlockSpec((1, D_OUT), lambda i: (0, 0)),
        ],
        out_specs=pl.BlockSpec((_TC_R, D_OUT), lambda i: (i, 0)),
        out_shape=jax.ShapeDtypeStruct((NP, D_OUT), jnp.float32),
    )(s2p, z1, dinv, W2, b2r)


def kernel(x, edge_index, W1, b1, W2, b2):
    x_p = jnp.pad(x, ((0, NP - N), (0, 0)))
    pad = jnp.full((EP - E,), NP - 1, dtype=jnp.int32)
    src_r = jnp.concatenate([edge_index[0], pad]).reshape(EP // LANES, LANES)
    dst_r = jnp.concatenate([edge_index[1], pad]).reshape(EP // LANES, LANES)
    zeros_tbl = jnp.zeros((NP, D_HID), jnp.float32)
    ones_blk = jnp.ones((LANES, D_HID), jnp.float32)
    b1r = b1.reshape(1, D_HID)
    b2r = b2.reshape(1, D_OUT)

    degp = _deg_call(dst_r, zeros_tbl, ones_blk)
    h1, u1, dinv = _tc1(x_p, W1, degp)
    s1p = _agg_call(u1, src_r, dst_r, zeros_tbl)
    z1, u2 = _tc2(s1p, h1, dinv, b1r)
    s2p = _agg_call(u2, src_r, dst_r, zeros_tbl)
    out_p = _tc3(s2p, z1, dinv, W2, b2r)
    return out_p[:N]

# --- scband reference (transcript-rebuilt; emitter-appended) ---
"""Pipeline reference for scband-net-simple-82703890252601 (READ-ONLY COPY).

The authoritative reference and input builder live on the scoring server;
editing this copy changes nothing except your own understanding.
"""

import jax, jax.numpy as jnp
import numpy as np

N = 10000
E = 320000
D_IN = 128
D_HID = 16
D_OUT = 128


def setup_inputs(seed: int = 0) -> dict:
    key = jax.random.key(seed)
    k1, k2, k3, k4, k5, k6 = jax.random.split(key, 6)
    x = jax.random.normal(k1, (N, D_IN), dtype=jnp.float32)
    edge_index = jax.random.randint(k2, (2, E), 0, N, dtype=jnp.int32)
    W1 = jax.random.normal(k3, (D_IN, D_HID), dtype=jnp.float32) * (1.0 / np.sqrt(D_IN))
    b1 = jnp.zeros((D_HID,), dtype=jnp.float32)
    W2 = jax.random.normal(k4, (D_HID, D_OUT), dtype=jnp.float32) * (1.0 / np.sqrt(D_HID))
    b2 = jnp.zeros((D_OUT,), dtype=jnp.float32)
    return {"x": x, "edge_index": edge_index, "W1": W1, "b1": b1, "W2": W2, "b2": b2}


def _gcn_conv(x, edge_index, W, b):
    # Faithful GCNConv: add self-loops, symmetric normalization D^-1/2 (A+I) D^-1/2, linear, bias.
    src = edge_index[0]
    dst = edge_index[1]
    loop = jnp.arange(N, dtype=edge_index.dtype)
    src = jnp.concatenate([src, loop])
    dst = jnp.concatenate([dst, loop])
    h = x @ W
    ones = jnp.ones(src.shape[0], dtype=x.dtype)
    deg = jax.ops.segment_sum(ones, dst, num_segments=N)
    deg_inv_sqrt = jax.lax.rsqrt(jnp.maximum(deg, 1e-12))
    norm = deg_inv_sqrt[src] * deg_inv_sqrt[dst]
    msg = h[src] * norm[:, None]
    out = jax.ops.segment_sum(msg, dst, num_segments=N)
    return out + b


def reference(x, edge_index, W1, b1, W2, b2):
    h = jnp.tanh(_gcn_conv(x, edge_index, W1, b1))
    out = _gcn_conv(h, edge_index, W2, b2)
    return out

if __name__ == "__main__":
    import jax
    _d = setup_inputs()
    print(jax.jit(kernel)(*tuple(_d.values())))

</pallas_src>

<mosaic_0001>
#map = affine_map<(d0, d1) -> (0, 0)>
#map1 = affine_map<(d0, d1) -> (0, 0, 0)>
module attributes {stable_mosaic.version = 14 : i64} {
  func.func @_deg_body(%arg0: i32, %arg1: i32, %arg2: memref<2560x128xi32, #tpu.memory_space<hbm>>, %arg3: memref<10240x16xf32, #tpu.memory_space<hbm>>, %arg4: memref<128x16xf32, #tpu.memory_space<hbm>>, %arg5: memref<2x10240x16xf32, #tpu.memory_space<hbm>>, %arg6: memref<94x128xi32, #tpu.memory_space<vmem>>, %arg7: memref<128x16xf32, #tpu.memory_space<vmem>>, %arg8: memref<10240x16xf32, #tpu.memory_space<vmem_shared>>, %arg9: memref<2x!tpu.dma_semaphore, #tpu.memory_space<semaphore_mem>>) attributes {dimension_semantics = [#tpu.dimension_semantics<core_parallel>, #tpu.dimension_semantics<subcore_parallel>], iteration_bounds = array<i64: 2, 16>, scalar_prefetch = 0 : i64, scratch_operands = 4 : i64, tpu.core_type = #tpu.core_type<sc_vector_subcore>, window_params = [{transform_indices = #map}, {transform_indices = #map}, {transform_indices = #map}, {transform_indices = #map1}]} {
    %eq3A = arith.constant 0 : i32
    %eq3A_0 = arith.cmpi eq, %arg0, %eq3A : i32
    %select_n3A = arith.constant 66 : i32
    %select_n3A_1 = arith.constant 94 : i32
    %select_n3A_2 = arith.select %eq3A_0, %select_n3A_1, %select_n3A : i32
    %eq3A_3 = arith.constant 0 : i32
    %eq3A_4 = arith.cmpi eq, %arg0, %eq3A_3 : i32
    %convert_element_type3A = arith.extui %eq3A_4 : i1 to i32
    %cond3A = arith.constant 0 : i32
    %cond3A_5 = arith.cmpi ne, %convert_element_type3A, %cond3A : i32
    scf.if %cond3A_5 {
      %mul3A_51 = arith.constant 94 : i32
      %mul3A_52 = arith.muli %arg1, %mul3A_51 : i32
      "tpu.region"() ({
        %run_scoped3A = tpu.sem_alloc : memref<!tpu.dma_semaphore, #tpu.memory_space<semaphore_mem>>
        %dma_start3A = arith.constant 0 : i32
        %dma_start3A_53 = tpu.memref_slice %arg2[%mul3A_52, %dma_start3A] : memref<2560x128xi32, #tpu.memory_space<hbm>> -> memref<94x128xi32, #tpu.memory_space<hbm>>
        %dma_start3A_54 = arith.constant 0 : i32
        %dma_start3A_55 = tpu.memref_slice %arg2[%mul3A_52, %dma_start3A_54] : memref<2560x128xi32, #tpu.memory_space<hbm>> -> memref<94x128xi32, #tpu.memory_space<hbm>>
        tpu.enqueue_dma source(%dma_start3A_55 : memref<94x128xi32, #tpu.memory_space<hbm>>) target(%arg6 : memref<94x128xi32, #tpu.memory_space<vmem>>) target_semaphore(%run_scoped3A : memref<!tpu.dma_semaphore, #tpu.memory_space<semaphore_mem>>)
        %dma_wait3A_56 = arith.constant 0 : i32
        %dma_wait3A_57 = tpu.memref_slice %arg2[%mul3A_52, %dma_wait3A_56] : memref<2560x128xi32, #tpu.memory_space<hbm>> -> memref<94x128xi32, #tpu.memory_space<hbm>>
        %dma_wait3A_58 = arith.constant 0 : i32
        %dma_wait3A_59 = tpu.memref_slice %arg2[%mul3A_52, %dma_wait3A_58] : memref<2560x128xi32, #tpu.memory_space<hbm>> -> memref<94x128xi32, #tpu.memory_space<hbm>>
        tpu.wait_dma2 semaphore(%run_scoped3A : memref<!tpu.dma_semaphore, #tpu.memory_space<semaphore_mem>>) src(%dma_wait3A_59 : memref<94x128xi32, #tpu.memory_space<hbm>>) dst(%arg6 : memref<94x128xi32, #tpu.memory_space<vmem>>)
        tpu.yield
      }) : () -> ()
    } else {
    }
    %eq3A_6 = arith.constant 1 : i32
    %eq3A_7 = arith.cmpi eq, %arg0, %eq3A_6 : i32
    %convert_element_type3A_8 = arith.extui %eq3A_7 : i1 to i32
    %cond3A_9 = arith.constant 0 : i32
    %cond3A_10 = arith.cmpi ne, %convert_element_type3A_8, %cond3A_9 : i32
    scf.if %cond3A_10 {
      %mul3A_51 = arith.constant 66 : i32
      %mul3A_52 = arith.muli %arg1, %mul3A_51 : i32
      %add3A = arith.constant 1504 : i32
      %add3A_53 = arith.addi %add3A, %mul3A_52 : i32
      "tpu.region"() ({
        %run_scoped3A = tpu.sem_alloc : memref<!tpu.dma_semaphore, #tpu.memory_space<semaphore_mem>>
        %dma_start3A = arith.constant 0 : i32
        %dma_start3A_54 = arith.constant 0 : i32
        %dma_start3A_55 = tpu.memref_slice %arg6[%dma_start3A, %dma_start3A_54] : memref<94x128xi32, #tpu.memory_space<vmem>> -> memref<66x128xi32, #tpu.memory_space<vmem>>
        %dma_start3A_56 = arith.constant 0 : i32
        %dma_start3A_57 = tpu.memref_slice %arg2[%add3A_53, %dma_start3A_56] : memref<2560x128xi32, #tpu.memory_space<hbm>> -> memref<66x128xi32, #tpu.memory_space<hbm>>
        %dma_start3A_58 = arith.constant 0 : i32
        %dma_start3A_59 = arith.constant 0 : i32
        %dma_start3A_60 = tpu.memref_slice %arg6[%dma_start3A_58, %dma_start3A_59] : memref<94x128xi32, #tpu.memory_space<vmem>> -> memref<66x128xi32, #tpu.memory_space<vmem>>
        %dma_start3A_61 = arith.constant 0 : i32
        %dma_start3A_62 = tpu.memref_slice %arg2[%add3A_53, %dma_start3A_61] : memref<2560x128xi32, #tpu.memory_space<hbm>> -> memref<66x128xi32, #tpu.memory_space<hbm>>
        tpu.enqueue_dma source(%dma_start3A_62 : memref<66x128xi32, #tpu.memory_space<hbm>>) target(%dma_start3A_60 : memref<66x128xi32, #tpu.memory_space<vmem>>) target_semaphore(%run_scoped3A : memref<!tpu.dma_semaphore, #tpu.memory_space<semaphore_mem>>)
        %dma_wait3A_63 = arith.constant 0 : i32
        %dma_wait3A_64 = arith.constant 0 : i32
        %dma_wait3A_65 = tpu.memref_slice %arg6[%dma_wait3A_63, %dma_wait3A_64] : memref<94x128xi32, #tpu.memory_space<vmem>> -> memref<66x128xi32, #tpu.memory_space<vmem>>
        %dma_wait3A_66 = arith.constant 0 : i32
        %dma_wait3A_67 = tpu.memref_slice %arg2[%add3A_53, %dma_wait3A_66] : memref<2560x128xi32, #tpu.memory_space<hbm>> -> memref<66x128xi32, #tpu.memory_space<hbm>>
        %dma_wait3A_68 = arith.constant 0 : i32
        %dma_wait3A_69 = arith.constant 0 : i32
        %dma_wait3A_70 = tpu.memref_slice %arg6[%dma_wait3A_68, %dma_wait3A_69] : memref<94x128xi32, #tpu.memory_space<vmem>> -> memref<66x128xi32, #tpu.memory_space<vmem>>
        %dma_wait3A_71 = arith.constant 0 : i32
        %dma_wait3A_72 = tpu.memref_slice %arg2[%add3A_53, %dma_wait3A_71] : memref<2560x128xi32, #tpu.memory_space<hbm>> -> memref<66x128xi32, #tpu.memory_space<hbm>>
        tpu.wait_dma2 semaphore(%run_scoped3A : memref<!tpu.dma_semaphore, #tpu.memory_space<semaphore_mem>>) src(%dma_wait3A_72 : memref<66x128xi32, #tpu.memory_space<hbm>>) dst(%dma_wait3A_70 : memref<66x128xi32, #tpu.memory_space<vmem>>)
        tpu.yield
      }) : () -> ()
    } else {
    }
    %mul3A = arith.constant 640 : i32
    %mul3A_11 = arith.muli %arg1, %mul3A : i32
    %mul3A_12 = arith.constant 640 : i32
    %mul3A_13 = arith.muli %arg1, %mul3A_12 : i32
    "tpu.region"() ({
      %run_scoped3A = tpu.sem_alloc : memref<!tpu.dma_semaphore, #tpu.memory_space<semaphore_mem>>
      %dma_start3A = arith.constant 0 : i32
      %dma_start3A_51 = tpu.memref_slice %arg8[%mul3A_13, %dma_start3A] : memref<10240x16xf32, #tpu.memory_space<vmem_shared>> -> memref<640x16xf32, #tpu.memory_space<vmem_shared>>
      %dma_start3A_52 = arith.constant 0 : i32
      %dma_start3A_53 = tpu.memref_slice %arg3[%mul3A_11, %dma_start3A_52] : memref<10240x16xf32, #tpu.memory_space<hbm>> -> memref<640x16xf32, #tpu.memory_space<hbm>>
      tpu.enqueue_dma source(%dma_start3A_53 : memref<640x16xf32, #tpu.memory_space<hbm>>) target(%dma_start3A_51 : memref<640x16xf32, #tpu.memory_space<vmem_shared>>) target_semaphore(%run_scoped3A : memref<!tpu.dma_semaphore, #tpu.memory_space<semaphore_mem>>)
      %dma_wait3A_54 = arith.constant 0 : i32
      %dma_wait3A_55 = tpu.memref_slice %arg8[%mul3A_13, %dma_wait3A_54] : memref<10240x16xf32, #tpu.memory_space<vmem_shared>> -> memref<640x16xf32, #tpu.memory_space<vmem_shared>>
      %dma_wait3A_56 = arith.constant 0 : i32
      %dma_wait3A_57 = tpu.memref_slice %arg3[%mul3A_11, %dma_wait3A_56] : memref<10240x16xf32, #tpu.memory_space<hbm>> -> memref<640x16xf32, #tpu.memory_space<hbm>>
      tpu.wait_dma2 semaphore(%run_scoped3A : memref<!tpu.dma_semaphore, #tpu.memory_space<semaphore_mem>>) src(%dma_wait3A_57 : memref<640x16xf32, #tpu.memory_space<hbm>>) dst(%dma_wait3A_55 : memref<640x16xf32, #tpu.memory_space<vmem_shared>>)
      tpu.yield
    }) : () -> ()
    "tpu.region"() ({
      %run_scoped3A = tpu.sem_alloc : memref<!tpu.dma_semaphore, #tpu.memory_space<semaphore_mem>>
      tpu.enqueue_dma source(%arg4 : memref<128x16xf32, #tpu.memory_space<hbm>>) target(%arg7 : memref<128x16xf32, #tpu.memory_space<vmem>>) target_semaphore(%run_scoped3A : memref<!tpu.dma_semaphore, #tpu.memory_space<semaphore_mem>>)
      tpu.wait_dma2 semaphore(%run_scoped3A : memref<!tpu.dma_semaphore, #tpu.memory_space<semaphore_mem>>) src(%arg4 : memref<128x16xf32, #tpu.memory_space<hbm>>) dst(%arg7 : memref<128x16xf32, #tpu.memory_space<vmem>>)
      tpu.yield
    }) : () -> ()
    %barrier3A = arith.constant 0 : index
    tpu.barrier barrier_id(%barrier3A)
    %while3A = arith.constant 0 : i32
    %while3A_14 = arith.constant 0 : i32
    %while3A_15 = arith.subi %select_n3A_2, %while3A_14 : i32
    %while3A_16 = arith.addi %while3A_14, %while3A_15 : i32
    %while3A_17 = arith.constant 1 : i32
    %while3A_18 = arith.divsi %while3A_15, %while3A_17 : i32
    %while3A_19 = arith.muli %while3A_18, %while3A_17 : i32
    %while3A_20 = arith.addi %while3A_14, %while3A_19 : i32
    %while3A_21 = arith.constant 1 : i32
    scf.for %while3A_51 = %while3A_14 to %while3A_20 step %while3A_21  : i32 {
      %rem3A_52 = arith.constant 2 : i32
      %rem3A_53 = arith.remsi %while3A_51, %rem3A_52 : i32
      %ge3A = arith.constant 2 : i32
      %ge3A_54 = arith.cmpi sge, %while3A_51, %ge3A : i32
      %convert_element_type3A_55 = arith.extui %ge3A_54 : i1 to i32
      %cond3A_56 = arith.constant 0 : i32
      %cond3A_57 = arith.cmpi ne, %convert_element_type3A_55, %cond3A_56 : i32
      scf.if %cond3A_57 {
        %sub3A_65 = arith.constant 2 : i32
        %sub3A_66 = arith.subi %while3A_51, %sub3A_65 : i32
        %dma_wait3A_67 = arith.constant 0 : i32
        %dma_wait3A_68 = tpu.memref_slice %arg6[%sub3A_66, %dma_wait3A_67] : memref<94x128xi32, #tpu.memory_space<vmem>> -> memref<1x128xi32, #tpu.memory_space<vmem>>
        %dma_wait3A_69 = tpu.memref_squeeze %dma_wait3A_68 : memref<1x128xi32, #tpu.memory_space<vmem>> -> memref<128xi32, #tpu.memory_space<vmem>>
        %dma_wait3A_70 = arith.constant 0 : i32
        %dma_wait3A_71 = arith.constant 0 : i32
        %dma_wait3A_72 = tpu.memref_slice %arg8[%dma_wait3A_70, %dma_wait3A_71] : memref<10240x16xf32, #tpu.memory_space<vmem_shared>> -> memref<10240x16xf32, #tpu.memory_space<vmem_shared>>
        %dma_wait3A_73 = tpu.memref_slice %arg9[%rem3A_53] : memref<2x!tpu.dma_semaphore, #tpu.memory_space<semaphore_mem>> -> memref<1x!tpu.dma_semaphore, #tpu.memory_space<semaphore_mem>>
        %dma_wait3A_74 = tpu.memref_squeeze %dma_wait3A_73 : memref<1x!tpu.dma_semaphore, #tpu.memory_space<semaphore_mem>> -> memref<!tpu.dma_semaphore, #tpu.memory_space<semaphore_mem>>
        tpu.wait_indirect_dma semaphore(%dma_wait3A_74 : memref<!tpu.dma_semaphore, #tpu.memory_space<semaphore_mem>>) src(%arg7 : memref<128x16xf32, #tpu.memory_space<vmem>>) dst(%dma_wait3A_72 : memref<10240x16xf32, #tpu.memory_space<vmem_shared>>)
      } else {
      }
      %dma_start3A = arith.constant 0 : i32
      %dma_start3A_58 = tpu.memref_slice %arg6[%while3A_51, %dma_start3A] : memref<94x128xi32, #tpu.memory_space<vmem>> -> memref<1x128xi32, #tpu.memory_space<vmem>>
      %dma_start3A_59 = tpu.memref_squeeze %dma_start3A_58 : memref<1x128xi32, #tpu.memory_space<vmem>> -> memref<128xi32, #tpu.memory_space<vmem>>
      %dma_start3A_60 = arith.constant 0 : i32
      %dma_start3A_61 = arith.constant 0 : i32
      %dma_start3A_62 = tpu.memref_slice %arg8[%dma_start3A_60, %dma_start3A_61] : memref<10240x16xf32, #tpu.memory_space<vmem_shared>> -> memref<10240x16xf32, #tpu.memory_space<vmem_shared>>
      %dma_start3A_63 = tpu.memref_slice %arg9[%rem3A_53] : memref<2x!tpu.dma_semaphore, #tpu.memory_space<semaphore_mem>> -> memref<1x!tpu.dma_semaphore, #tpu.memory_space<semaphore_mem>>
      %dma_start3A_64 = tpu.memref_squeeze %dma_start3A_63 : memref<1x!tpu.dma_semaphore, #tpu.memory_space<semaphore_mem>> -> memref<!tpu.dma_semaphore, #tpu.memory_space<semaphore_mem>>
      tpu.enqueue_indirect_dma source(%arg7 : memref<128x16xf32, #tpu.memory_space<vmem>>) target(%dma_start3A_62 : memref<10240x16xf32, #tpu.memory_space<vmem_shared>>) offsets(%dma_start3A_59 : memref<128xi32, #tpu.memory_space<vmem>>) semaphore(%dma_start3A_64 : memref<!tpu.dma_semaphore, #tpu.memory_space<semaphore_mem>>) {add = true}
    }
    %while3A_22 = arith.constant 1 : i32
    scf.for %while3A_51 = %while3A_20 to %while3A_16 step %while3A_22  : i32 {
      %rem3A_52 = arith.constant 2 : i32
      %rem3A_53 = arith.remsi %while3A_51, %rem3A_52 : i32
      %ge3A = arith.constant 2 : i32
      %ge3A_54 = arith.cmpi sge, %while3A_51, %ge3A : i32
      %convert_element_type3A_55 = arith.extui %ge3A_54 : i1 to i32
      %cond3A_56 = arith.constant 0 : i32
      %cond3A_57 = arith.cmpi ne, %convert_element_type3A_55, %cond3A_56 : i32
      scf.if %cond3A_57 {
        %sub3A_65 = arith.constant 2 : i32
        %sub3A_66 = arith.subi %while3A_51, %sub3A_65 : i32
        %dma_wait3A_67 = arith.constant 0 : i32
        %dma_wait3A_68 = tpu.memref_slice %arg6[%sub3A_66, %dma_wait3A_67] : memref<94x128xi32, #tpu.memory_space<vmem>> -> memref<1x128xi32, #tpu.memory_space<vmem>>
        %dma_wait3A_69 = tpu.memref_squeeze %dma_wait3A_68 : memref<1x128xi32, #tpu.memory_space<vmem>> -> memref<128xi32, #tpu.memory_space<vmem>>
        %dma_wait3A_70 = arith.constant 0 : i32
        %dma_wait3A_71 = arith.constant 0 : i32
        %dma_wait3A_72 = tpu.memref_slice %arg8[%dma_wait3A_70, %dma_wait3A_71] : memref<10240x16xf32, #tpu.memory_space<vmem_shared>> -> memref<10240x16xf32, #tpu.memory_space<vmem_shared>>
        %dma_wait3A_73 = tpu.memref_slice %arg9[%rem3A_53] : memref<2x!tpu.dma_semaphore, #tpu.memory_space<semaphore_mem>> -> memref<1x!tpu.dma_semaphore, #tpu.memory_space<semaphore_mem>>
        %dma_wait3A_74 = tpu.memref_squeeze %dma_wait3A_73 : memref<1x!tpu.dma_semaphore, #tpu.memory_space<semaphore_mem>> -> memref<!tpu.dma_semaphore, #tpu.memory_space<semaphore_mem>>
        tpu.wait_indirect_dma semaphore(%dma_wait3A_74 : memref<!tpu.dma_semaphore, #tpu.memory_space<semaphore_mem>>) src(%arg7 : memref<128x16xf32, #tpu.memory_space<vmem>>) dst(%dma_wait3A_72 : memref<10240x16xf32, #tpu.memory_space<vmem_shared>>)
      } else {
      }
      %dma_start3A = arith.constant 0 : i32
      %dma_start3A_58 = tpu.memref_slice %arg6[%while3A_51, %dma_start3A] : memref<94x128xi32, #tpu.memory_space<vmem>> -> memref<1x128xi32, #tpu.memory_space<vmem>>
      %dma_start3A_59 = tpu.memref_squeeze %dma_start3A_58 : memref<1x128xi32, #tpu.memory_space<vmem>> -> memref<128xi32, #tpu.memory_space<vmem>>
      %dma_start3A_60 = arith.constant 0 : i32
      %dma_start3A_61 = arith.constant 0 : i32
      %dma_start3A_62 = tpu.memref_slice %arg8[%dma_start3A_60, %dma_start3A_61] : memref<10240x16xf32, #tpu.memory_space<vmem_shared>> -> memref<10240x16xf32, #tpu.memory_space<vmem_shared>>
      %dma_start3A_63 = tpu.memref_slice %arg9[%rem3A_53] : memref<2x!tpu.dma_semaphore, #tpu.memory_space<semaphore_mem>> -> memref<1x!tpu.dma_semaphore, #tpu.memory_space<semaphore_mem>>
      %dma_start3A_64 = tpu.memref_squeeze %dma_start3A_63 : memref<1x!tpu.dma_semaphore, #tpu.memory_space<semaphore_mem>> -> memref<!tpu.dma_semaphore, #tpu.memory_space<semaphore_mem>>
      tpu.enqueue_indirect_dma source(%arg7 : memref<128x16xf32, #tpu.memory_space<vmem>>) target(%dma_start3A_62 : memref<10240x16xf32, #tpu.memory_space<vmem_shared>>) offsets(%dma_start3A_59 : memref<128xi32, #tpu.memory_space<vmem>>) semaphore(%dma_start3A_64 : memref<!tpu.dma_semaphore, #tpu.memory_space<semaphore_mem>>) {add = true}
    }
    %sub3A = arith.constant 2 : i32
    %sub3A_23 = arith.subi %select_n3A_2, %sub3A : i32
    %rem3A = arith.constant 2 : i32
    %rem3A_24 = arith.remsi %select_n3A_2, %rem3A : i32
    %dma_wait3A = arith.constant 0 : i32
    %dma_wait3A_25 = tpu.memref_slice %arg6[%sub3A_23, %dma_wait3A] : memref<94x128xi32, #tpu.memory_space<vmem>> -> memref<1x128xi32, #tpu.memory_space<vmem>>
    %dma_wait3A_26 = tpu.memref_squeeze %dma_wait3A_25 : memref<1x128xi32, #tpu.memory_space<vmem>> -> memref<128xi32, #tpu.memory_space<vmem>>
    %dma_wait3A_27 = arith.constant 0 : i32
    %dma_wait3A_28 = arith.constant 0 : i32
    %dma_wait3A_29 = tpu.memref_slice %arg8[%dma_wait3A_27, %dma_wait3A_28] : memref<10240x16xf32, #tpu.memory_space<vmem_shared>> -> memref<10240x16xf32, #tpu.memory_space<vmem_shared>>
    %dma_wait3A_30 = tpu.memref_slice %arg9[%rem3A_24] : memref<2x!tpu.dma_semaphore, #tpu.memory_space<semaphore_mem>> -> memref<1x!tpu.dma_semaphore, #tpu.memory_space<semaphore_mem>>
    %dma_wait3A_31 = tpu.memref_squeeze %dma_wait3A_30 : memref<1x!tpu.dma_semaphore, #tpu.memory_space<semaphore_mem>> -> memref<!tpu.dma_semaphore, #tpu.memory_space<semaphore_mem>>
    tpu.wait_indirect_dma semaphore(%dma_wait3A_31 : memref<!tpu.dma_semaphore, #tpu.memory_space<semaphore_mem>>) src(%arg7 : memref<128x16xf32, #tpu.memory_space<vmem>>) dst(%dma_wait3A_29 : memref<10240x16xf32, #tpu.memory_space<vmem_shared>>)
    %sub3A_32 = arith.constant 1 : i32
    %sub3A_33 = arith.subi %select_n3A_2, %sub3A_32 : i32
    %sub3A_34 = arith.constant 1 : i32
    %sub3A_35 = arith.subi %select_n3A_2, %sub3A_34 : i32
    %rem3A_36 = arith.constant 2 : i32
    %rem3A_37 = arith.remsi %sub3A_35, %rem3A_36 : i32
    %dma_wait3A_38 = arith.constant 0 : i32
    %dma_wait3A_39 = tpu.memref_slice %arg6[%sub3A_33, %dma_wait3A_38] : memref<94x128xi32, #tpu.memory_space<vmem>> -> memref<1x128xi32, #tpu.memory_space<vmem>>
    %dma_wait3A_40 = tpu.memref_squeeze %dma_wait3A_39 : memref<1x128xi32, #tpu.memory_space<vmem>> -> memref<128xi32, #tpu.memory_space<vmem>>
    %dma_wait3A_41 = arith.constant 0 : i32
    %dma_wait3A_42 = arith.constant 0 : i32
    %dma_wait3A_43 = tpu.memref_slice %arg8[%dma_wait3A_41, %dma_wait3A_42] : memref<10240x16xf32, #tpu.memory_space<vmem_shared>> -> memref<10240x16xf32, #tpu.memory_space<vmem_shared>>
    %dma_wait3A_44 = tpu.memref_slice %arg9[%rem3A_37] : memref<2x!tpu.dma_semaphore, #tpu.memory_space<semaphore_mem>> -> memref<1x!tpu.dma_semaphore, #tpu.memory_space<semaphore_mem>>
    %dma_wait3A_45 = tpu.memref_squeeze %dma_wait3A_44 : memref<1x!tpu.dma_semaphore, #tpu.memory_space<semaphore_mem>> -> memref<!tpu.dma_semaphore, #tpu.memory_space<semaphore_mem>>
    tpu.wait_indirect_dma semaphore(%dma_wait3A_45 : memref<!tpu.dma_semaphore, #tpu.memory_space<semaphore_mem>>) src(%arg7 : memref<128x16xf32, #tpu.memory_space<vmem>>) dst(%dma_wait3A_43 : memref<10240x16xf32, #tpu.memory_space<vmem_shared>>)
    %barrier3A_46 = arith.constant 0 : index
    tpu.barrier barrier_id(%barrier3A_46)
    %mul3A_47 = arith.constant 640 : i32
    %mul3A_48 = arith.muli %arg1, %mul3A_47 : i32
    %mul3A_49 = arith.constant 640 : i32
    %mul3A_50 = arith.muli %arg1, %mul3A_49 : i32
    "tpu.region"() ({
      %run_scoped3A = tpu.sem_alloc : memref<!tpu.dma_semaphore, #tpu.memory_space<semaphore_mem>>
      %dma_start3A = arith.constant 0 : i32
      %dma_start3A_51 = tpu.memref_slice %arg5[%arg0, %mul3A_50, %dma_start3A] : memref<2x10240x16xf32, #tpu.memory_space<hbm>> -> memref<1x640x16xf32, #tpu.memory_space<hbm>>
      %dma_start3A_52 = tpu.memref_squeeze %dma_start3A_51 : memref<1x640x16xf32, #tpu.memory_space<hbm>> -> memref<640x16xf32, #tpu.memory_space<hbm>>
      %dma_start3A_53 = arith.constant 0 : i32
      %dma_start3A_54 = tpu.memref_slice %arg8[%mul3A_48, %dma_start3A_53] : memref<10240x16xf32, #tpu.memory_space<vmem_shared>> -> memref<640x16xf32, #tpu.memory_space<vmem_shared>>
      tpu.enqueue_dma source(%dma_start3A_54 : memref<640x16xf32, #tpu.memory_space<vmem_shared>>) target(%dma_start3A_52 : memref<640x16xf32, #tpu.memory_space<hbm>>) target_semaphore(%run_scoped3A : memref<!tpu.dma_semaphore, #tpu.memory_space<semaphore_mem>>)
      %dma_wait3A_55 = arith.constant 0 : i32
      %dma_wait3A_56 = tpu.memref_slice %arg5[%arg0, %mul3A_50, %dma_wait3A_55] : memref<2x10240x16xf32, #tpu.memory_space<hbm>> -> memref<1x640x16xf32, #tpu.memory_space<hbm>>
      %dma_wait3A_57 = tpu.memref_squeeze %dma_wait3A_56 : memref<1x640x16xf32, #tpu.memory_space<hbm>> -> memref<640x16xf32, #tpu.memory_space<hbm>>
      %dma_wait3A_58 = arith.constant 0 : i32
      %dma_wait3A_59 = tpu.memref_slice %arg8[%mul3A_48, %dma_wait3A_58] : memref<10240x16xf32, #tpu.memory_space<vmem_shared>> -> memref<640x16xf32, #tpu.memory_space<vmem_shared>>
      tpu.wait_dma2 semaphore(%run_scoped3A : memref<!tpu.dma_semaphore, #tpu.memory_space<semaphore_mem>>) src(%dma_wait3A_59 : memref<640x16xf32, #tpu.memory_space<vmem_shared>>) dst(%dma_wait3A_57 : memref<640x16xf32, #tpu.memory_space<hbm>>)
      tpu.yield
    }) : () -> ()
    return
  }
}

#map = affine_map<(d0, d1) -> (0, 0)>
#map1 = affine_map<(d0, d1) -> (0, 0, 0)>
module attributes {stable_mosaic.version = 14 : i64} {
  func.func @_agg_body(%arg0: i32, %arg1: i32, %arg2: memref<10240x16xf32, #tpu.memory_space<hbm>>, %arg3: memref<2560x128xi32, #tpu.memory_space<hbm>>, %arg4: memref<2560x128xi32, #tpu.memory_space<hbm>>, %arg5: memref<10240x16xf32, #tpu.memory_space<hbm>>, %arg6: memref<2x10240x16xf32, #tpu.memory_space<hbm>>, %arg7: memref<94x128xi32, #tpu.memory_space<vmem>>, %arg8: memref<94x128xi32, #tpu.memory_space<vmem>>, %arg9: memref<4x128x16xf32, #tpu.memory_space<vmem>>, %arg10: memref<10240x16xf32, #tpu.memory_space<vmem_shared>>, %arg11: memref<4x!tpu.dma_semaphore, #tpu.memory_space<semaphore_mem>>, %arg12: memref<4x!tpu.dma_semaphore, #tpu.memory_space<semaphore_mem>>) attributes {dimension_semantics = [#tpu.dimension_semantics<core_parallel>, #tpu.dimension_semantics<subcore_parallel>], iteration_bounds = array<i64: 2, 16>, scalar_prefetch = 0 : i64, scratch_operands = 6 : i64, tpu.core_type = #tpu.core_type<sc_vector_subcore>, window_params = [{transform_indices = #map}, {transform_indices = #map}, {transform_indices = #map}, {transform_indices = #map}, {transform_indices = #map1}]} {
    %eq3A = arith.constant 0 : i32
    %eq3A_0 = arith.cmpi eq, %arg0, %eq3A : i32
    %select_n3A = arith.constant 66 : i32
    %select_n3A_1 = arith.constant 94 : i32
    %select_n3A_2 = arith.select %eq3A_0, %select_n3A_1, %select_n3A : i32
    %eq3A_3 = arith.constant 0 : i32
    %eq3A_4 = arith.cmpi eq, %arg0, %eq3A_3 : i32
    %convert_element_type3A = arith.extui %eq3A_4 : i1 to i32
    %cond3A = arith.constant 0 : i32
    %cond3A_5 = arith.cmpi ne, %convert_element_type3A, %cond3A : i32
    scf.if %cond3A_5 {
      %mul3A_158 = arith.constant 94 : i32
      %mul3A_159 = arith.muli %arg1, %mul3A_158 : i32
      "tpu.region"() ({
        %run_scoped3A = tpu.sem_alloc : memref<!tpu.dma_semaphore, #tpu.memory_space<semaphore_mem>>
        %dma_start3A_160 = arith.constant 0 : i32
        %dma_start3A_161 = tpu.memref_slice %arg3[%mul3A_159, %dma_start3A_160] : memref<2560x128xi32, #tpu.memory_space<hbm>> -> memref<94x128xi32, #tpu.memory_space<hbm>>
        %dma_start3A_162 = arith.constant 0 : i32
        %dma_start3A_163 = tpu.memref_slice %arg3[%mul3A_159, %dma_start3A_162] : memref<2560x128xi32, #tpu.memory_space<hbm>> -> memref<94x128xi32, #tpu.memory_space<hbm>>
        tpu.enqueue_dma source(%dma_start3A_163 : memref<94x128xi32, #tpu.memory_space<hbm>>) target(%arg7 : memref<94x128xi32, #tpu.memory_space<vmem>>) target_semaphore(%run_scoped3A : memref<!tpu.dma_semaphore, #tpu.memory_space<semaphore_mem>>)
        %dma_wait3A_164 = arith.constant 0 : i32
        %dma_wait3A_165 = tpu.memref_slice %arg3[%mul3A_159, %dma_wait3A_164] : memref<2560x128xi32, #tpu.memory_space<hbm>> -> memref<94x128xi32, #tpu.memory_space<hbm>>
        %dma_wait3A_166 = arith.constant 0 : i32
        %dma_wait3A_167 = tpu.memref_slice %arg3[%mul3A_159, %dma_wait3A_166] : memref<2560x128xi32, #tpu.memory_space<hbm>> -> memref<94x128xi32, #tpu.memory_space<hbm>>
        tpu.wait_dma2 semaphore(%run_scoped3A : memref<!tpu.dma_semaphore, #tpu.memory_space<semaphore_mem>>) src(%dma_wait3A_167 : memref<94x128xi32, #tpu.memory_space<hbm>>) dst(%arg7 : memref<94x128xi32, #tpu.memory_space<vmem>>)
        tpu.yield
      }) : () -> ()
    } else {
    }
    %eq3A_6 = arith.constant 1 : i32
    %eq3A_7 = arith.cmpi eq, %arg0, %eq3A_6 : i32
    %convert_element_type3A_8 = arith.extui %eq3A_7 : i1 to i32
    %cond3A_9 = arith.constant 0 : i32
    %cond3A_10 = arith.cmpi ne, %convert_element_type3A_8, %cond3A_9 : i32
    scf.if %cond3A_10 {
      %mul3A_158 = arith.constant 66 : i32
      %mul3A_159 = arith.muli %arg1, %mul3A_158 : i32
      %add3A_160 = arith.constant 1504 : i32
      %add3A_161 = arith.addi %add3A_160, %mul3A_159 : i32
      "tpu.region"() ({
        %run_scoped3A = tpu.sem_alloc : memref<!tpu.dma_semaphore, #tpu.memory_space<semaphore_mem>>
        %dma_start3A_162 = arith.constant 0 : i32
        %dma_start3A_163 = arith.constant 0 : i32
        %dma_start3A_164 = tpu.memref_slice %arg7[%dma_start3A_162, %dma_start3A_163] : memref<94x128xi32, #tpu.memory_space<vmem>> -> memref<66x128xi32, #tpu.memory_space<vmem>>
        %dma_start3A_165 = arith.constant 0 : i32
        %dma_start3A_166 = tpu.memref_slice %arg3[%add3A_161, %dma_start3A_165] : memref<2560x128xi32, #tpu.memory_space<hbm>> -> memref<66x128xi32, #tpu.memory_space<hbm>>
        %dma_start3A_167 = arith.constant 0 : i32
        %dma_start3A_168 = arith.constant 0 : i32
        %dma_start3A_169 = tpu.memref_slice %arg7[%dma_start3A_167, %dma_start3A_168] : memref<94x128xi32, #tpu.memory_space<vmem>> -> memref<66x128xi32, #tpu.memory_space<vmem>>
        %dma_start3A_170 = arith.constant 0 : i32
        %dma_start3A_171 = tpu.memref_slice %arg3[%add3A_161, %dma_start3A_170] : memref<2560x128xi32, #tpu.memory_space<hbm>> -> memref<66x128xi32, #tpu.memory_space<hbm>>
        tpu.enqueue_dma source(%dma_start3A_171 : memref<66x128xi32, #tpu.memory_space<hbm>>) target(%dma_start3A_169 : memref<66x128xi32, #tpu.memory_space<vmem>>) target_semaphore(%run_scoped3A : memref<!tpu.dma_semaphore, #tpu.memory_space<semaphore_mem>>)
        %dma_wait3A_172 = arith.constant 0 : i32
        %dma_wait3A_173 = arith.constant 0 : i32
        %dma_wait3A_174 = tpu.memref_slice %arg7[%dma_wait3A_172, %dma_wait3A_173] : memref<94x128xi32, #tpu.memory_space<vmem>> -> memref<66x128xi32, #tpu.memory_space<vmem>>
        %dma_wait3A_175 = arith.constant 0 : i32
        %dma_wait3A_176 = tpu.memref_slice %arg3[%add3A_161, %dma_wait3A_175] : memref<2560x128xi32, #tpu.memory_space<hbm>> -> memref<66x128xi32, #tpu.memory_space<hbm>>
        %dma_wait3A_177 = arith.constant 0 : i32
        %dma_wait3A_178 = arith.constant 0 : i32
        %dma_wait3A_179 = tpu.memref_slice %arg7[%dma_wait3A_177, %dma_wait3A_178] : memref<94x128xi32, #tpu.memory_space<vmem>> -> memref<66x128xi32, #tpu.memory_space<vmem>>
        %dma_wait3A_180 = arith.constant 0 : i32
        %dma_wait3A_181 = tpu.memref_slice %arg3[%add3A_161, %dma_wait3A_180] : memref<2560x128xi32, #tpu.memory_space<hbm>> -> memref<66x128xi32, #tpu.memory_space<hbm>>
        tpu.wait_dma2 semaphore(%run_scoped3A : memref<!tpu.dma_semaphore, #tpu.memory_space<semaphore_mem>>) src(%dma_wait3A_181 : memref<66x128xi32, #tpu.memory_space<hbm>>) dst(%dma_wait3A_179 : memref<66x128xi32, #tpu.memory_space<vmem>>)
        tpu.yield
      }) : () -> ()
    } else {
    }
    %eq3A_11 = arith.constant 0 : i32
    %eq3A_12 = arith.cmpi eq, %arg0, %eq3A_11 : i32
    %convert_element_type3A_13 = arith.extui %eq3A_12 : i1 to i32
    %cond3A_14 = arith.constant 0 : i32
    %cond3A_15 = arith.cmpi ne, %convert_element_type3A_13, %cond3A_14 : i32
    scf.if %cond3A_15 {
      %mul3A_158 = arith.constant 94 : i32
      %mul3A_159 = arith.muli %arg1, %mul3A_158 : i32
      "tpu.region"() ({
        %run_scoped3A = tpu.sem_alloc : memref<!tpu.dma_semaphore, #tpu.memory_space<semaphore_mem>>
        %dma_start3A_160 = arith.constant 0 : i32
        %dma_start3A_161 = tpu.memref_slice %arg4[%mul3A_159, %dma_start3A_160] : memref<2560x128xi32, #tpu.memory_space<hbm>> -> memref<94x128xi32, #tpu.memory_space<hbm>>
        %dma_start3A_162 = arith.constant 0 : i32
        %dma_start3A_163 = tpu.memref_slice %arg4[%mul3A_159, %dma_start3A_162] : memref<2560x128xi32, #tpu.memory_space<hbm>> -> memref<94x128xi32, #tpu.memory_space<hbm>>
        tpu.enqueue_dma source(%dma_start3A_163 : memref<94x128xi32, #tpu.memory_space<hbm>>) target(%arg8 : memref<94x128xi32, #tpu.memory_space<vmem>>) target_semaphore(%run_scoped3A : memref<!tpu.dma_semaphore, #tpu.memory_space<semaphore_mem>>)
        %dma_wait3A_164 = arith.constant 0 : i32
        %dma_wait3A_165 = tpu.memref_slice %arg4[%mul3A_159, %dma_wait3A_164] : memref<2560x128xi32, #tpu.memory_space<hbm>> -> memref<94x128xi32, #tpu.memory_space<hbm>>
        %dma_wait3A_166 = arith.constant 0 : i32
        %dma_wait3A_167 = tpu.memref_slice %arg4[%mul3A_159, %dma_wait3A_166] : memref<2560x128xi32, #tpu.memory_space<hbm>> -> memref<94x128xi32, #tpu.memory_space<hbm>>
        tpu.wait_dma2 semaphore(%run_scoped3A : memref<!tpu.dma_semaphore, #tpu.memory_space<semaphore_mem>>) src(%dma_wait3A_167 : memref<94x128xi32, #tpu.memory_space<hbm>>) dst(%arg8 : memref<94x128xi32, #tpu.memory_space<vmem>>)
        tpu.yield
      }) : () -> ()
    } else {
    }
    %eq3A_16 = arith.constant 1 : i32
    %eq3A_17 = arith.cmpi eq, %arg0, %eq3A_16 : i32
    %convert_element_type3A_18 = arith.extui %eq3A_17 : i1 to i32
    %cond3A_19 = arith.constant 0 : i32
    %cond3A_20 = arith.cmpi ne, %convert_element_type3A_18, %cond3A_19 : i32
    scf.if %cond3A_20 {
      %mul3A_158 = arith.constant 66 : i32
      %mul3A_159 = arith.muli %arg1, %mul3A_158 : i32
      %add3A_160 = arith.constant 1504 : i32
      %add3A_161 = arith.addi %add3A_160, %mul3A_159 : i32
      "tpu.region"() ({
        %run_scoped3A = tpu.sem_alloc : memref<!tpu.dma_semaphore, #tpu.memory_space<semaphore_mem>>
        %dma_start3A_162 = arith.constant 0 : i32
        %dma_start3A_163 = arith.constant 0 : i32
        %dma_start3A_164 = tpu.memref_slice %arg8[%dma_start3A_162, %dma_start3A_163] : memref<94x128xi32, #tpu.memory_space<vmem>> -> memref<66x128xi32, #tpu.memory_space<vmem>>
        %dma_start3A_165 = arith.constant 0 : i32
        %dma_start3A_166 = tpu.memref_slice %arg4[%add3A_161, %dma_start3A_165] : memref<2560x128xi32, #tpu.memory_space<hbm>> -> memref<66x128xi32, #tpu.memory_space<hbm>>
        %dma_start3A_167 = arith.constant 0 : i32
        %dma_start3A_168 = arith.constant 0 : i32
        %dma_start3A_169 = tpu.memref_slice %arg8[%dma_start3A_167, %dma_start3A_168] : memref<94x128xi32, #tpu.memory_space<vmem>> -> memref<66x128xi32, #tpu.memory_space<vmem>>
        %dma_start3A_170 = arith.constant 0 : i32
        %dma_start3A_171 = tpu.memref_slice %arg4[%add3A_161, %dma_start3A_170] : memref<2560x128xi32, #tpu.memory_space<hbm>> -> memref<66x128xi32, #tpu.memory_space<hbm>>
        tpu.enqueue_dma source(%dma_start3A_171 : memref<66x128xi32, #tpu.memory_space<hbm>>) target(%dma_start3A_169 : memref<66x128xi32, #tpu.memory_space<vmem>>) target_semaphore(%run_scoped3A : memref<!tpu.dma_semaphore, #tpu.memory_space<semaphore_mem>>)
        %dma_wait3A_172 = arith.constant 0 : i32
        %dma_wait3A_173 = arith.constant 0 : i32
        %dma_wait3A_174 = tpu.memref_slice %arg8[%dma_wait3A_172, %dma_wait3A_173] : memref<94x128xi32, #tpu.memory_space<vmem>> -> memref<66x128xi32, #tpu.memory_space<vmem>>
        %dma_wait3A_175 = arith.constant 0 : i32
        %dma_wait3A_176 = tpu.memref_slice %arg4[%add3A_161, %dma_wait3A_175] : memref<2560x128xi32, #tpu.memory_space<hbm>> -> memref<66x128xi32, #tpu.memory_space<hbm>>
        %dma_wait3A_177 = arith.constant 0 : i32
        %dma_wait3A_178 = arith.constant 0 : i32
        %dma_wait3A_179 = tpu.memref_slice %arg8[%dma_wait3A_177, %dma_wait3A_178] : memref<94x128xi32, #tpu.memory_space<vmem>> -> memref<66x128xi32, #tpu.memory_space<vmem>>
        %dma_wait3A_180 = arith.constant 0 : i32
        %dma_wait3A_181 = tpu.memref_slice %arg4[%add3A_161, %dma_wait3A_180] : memref<2560x128xi32, #tpu.memory_space<hbm>> -> memref<66x128xi32, #tpu.memory_space<hbm>>
        tpu.wait_dma2 semaphore(%run_scoped3A : memref<!tpu.dma_semaphore, #tpu.memory_space<semaphore_mem>>) src(%dma_wait3A_181 : memref<66x128xi32, #tpu.memory_space<hbm>>) dst(%dma_wait3A_179 : memref<66x128xi32, #tpu.memory_space<vmem>>)
        tpu.yield
      }) : () -> ()
    } else {
    }
    %mul3A = arith.constant 640 : i32
    %mul3A_21 = arith.muli %arg1, %mul3A : i32
    %mul3A_22 = arith.constant 640 : i32
    %mul3A_23 = arith.muli %arg1, %mul3A_22 : i32
    "tpu.region"() ({
      %run_scoped3A = tpu.sem_alloc : memref<!tpu.dma_semaphore, #tpu.memory_space<semaphore_mem>>
      %dma_start3A_158 = arith.constant 0 : i32
      %dma_start3A_159 = tpu.memref_slice %arg10[%mul3A_23, %dma_start3A_158] : memref<10240x16xf32, #tpu.memory_space<vmem_shared>> -> memref<640x16xf32, #tpu.memory_space<vmem_shared>>
      %dma_start3A_160 = arith.constant 0 : i32
      %dma_start3A_161 = tpu.memref_slice %arg5[%mul3A_21, %dma_start3A_160] : memref<10240x16xf32, #tpu.memory_space<hbm>> -> memref<640x16xf32, #tpu.memory_space<hbm>>
      tpu.enqueue_dma source(%dma_start3A_161 : memref<640x16xf32, #tpu.memory_space<hbm>>) target(%dma_start3A_159 : memref<640x16xf32, #tpu.memory_space<vmem_shared>>) target_semaphore(%run_scoped3A : memref<!tpu.dma_semaphore, #tpu.memory_space<semaphore_mem>>)
      %dma_wait3A_162 = arith.constant 0 : i32
      %dma_wait3A_163 = tpu.memref_slice %arg10[%mul3A_23, %dma_wait3A_162] : memref<10240x16xf32, #tpu.memory_space<vmem_shared>> -> memref<640x16xf32, #tpu.memory_space<vmem_shared>>
      %dma_wait3A_164 = arith.constant 0 : i32
      %dma_wait3A_165 = tpu.memref_slice %arg5[%mul3A_21, %dma_wait3A_164] : memref<10240x16xf32, #tpu.memory_space<hbm>> -> memref<640x16xf32, #tpu.memory_space<hbm>>
      tpu.wait_dma2 semaphore(%run_scoped3A : memref<!tpu.dma_semaphore, #tpu.memory_space<semaphore_mem>>) src(%dma_wait3A_165 : memref<640x16xf32, #tpu.memory_space<hbm>>) dst(%dma_wait3A_163 : memref<640x16xf32, #tpu.memory_space<vmem_shared>>)
      tpu.yield
    }) : () -> ()
    %barrier3A = arith.constant 0 : index
    tpu.barrier barrier_id(%barrier3A)
    %dma_start3A = arith.constant 0 : i32
    %dma_start3A_24 = arith.constant 0 : i32
    %dma_start3A_25 = arith.constant 0 : i32
    %dma_start3A_26 = arith.constant 0 : i32
    %dma_start3A_27 = arith.constant 0 : i32
    %dma_start3A_28 = tpu.memref_slice %arg9[%dma_start3A_24, %dma_start3A_26, %dma_start3A_27] : memref<4x128x16xf32, #tpu.memory_space<vmem>> -> memref<1x128x16xf32, #tpu.memory_space<vmem>>
    %dma_start3A_29 = tpu.memref_squeeze %dma_start3A_28 : memref<1x128x16xf32, #tpu.memory_space<vmem>> -> memref<128x16xf32, #tpu.memory_space<vmem>>
    %dma_start3A_30 = arith.constant 0 : i32
    %dma_start3A_31 = tpu.memref_slice %arg7[%dma_start3A, %dma_start3A_30] : memref<94x128xi32, #tpu.memory_space<vmem>> -> memref<1x128xi32, #tpu.memory_space<vmem>>
    %dma_start3A_32 = tpu.memref_squeeze %dma_start3A_31 : memref<1x128xi32, #tpu.memory_space<vmem>> -> memref<128xi32, #tpu.memory_space<vmem>>
    %dma_start3A_33 = arith.constant 0 : i32
    %dma_start3A_34 = arith.constant 0 : i32
    %dma_start3A_35 = tpu.memref_slice %arg2[%dma_start3A_33, %dma_start3A_34] : memref<10240x16xf32, #tpu.memory_space<hbm>> -> memref<10240x16xf32, #tpu.memory_space<hbm>>
    %dma_start3A_36 = tpu.memref_slice %arg11[%dma_start3A_25] : memref<4x!tpu.dma_semaphore, #tpu.memory_space<semaphore_mem>> -> memref<1x!tpu.dma_semaphore, #tpu.memory_space<semaphore_mem>>
    %dma_start3A_37 = tpu.memref_squeeze %dma_start3A_36 : memref<1x!tpu.dma_semaphore, #tpu.memory_space<semaphore_mem>> -> memref<!tpu.dma_semaphore, #tpu.memory_space<semaphore_mem>>
    tpu.enqueue_indirect_dma source(%dma_start3A_35 : memref<10240x16xf32, #tpu.memory_space<hbm>>) target(%dma_start3A_29 : memref<128x16xf32, #tpu.memory_space<vmem>>) offsets(%dma_start3A_32 : memref<128xi32, #tpu.memory_space<vmem>>) semaphore(%dma_start3A_37 : memref<!tpu.dma_semaphore, #tpu.memory_space<semaphore_mem>>)
    %dma_start3A_38 = arith.constant 1 : i32
    %dma_start3A_39 = arith.constant 1 : i32
    %dma_start3A_40 = arith.constant 1 : i32
    %dma_start3A_41 = arith.constant 0 : i32
    %dma_start3A_42 = arith.constant 0 : i32
    %dma_start3A_43 = tpu.memref_slice %arg9[%dma_start3A_39, %dma_start3A_41, %dma_start3A_42] : memref<4x128x16xf32, #tpu.memory_space<vmem>> -> memref<1x128x16xf32, #tpu.memory_space<vmem>>
    %dma_start3A_44 = tpu.memref_squeeze %dma_start3A_43 : memref<1x128x16xf32, #tpu.memory_space<vmem>> -> memref<128x16xf32, #tpu.memory_space<vmem>>
    %dma_start3A_45 = arith.constant 0 : i32
    %dma_start3A_46 = tpu.memref_slice %arg7[%dma_start3A_38, %dma_start3A_45] : memref<94x128xi32, #tpu.memory_space<vmem>> -> memref<1x128xi32, #tpu.memory_space<vmem>>
    %dma_start3A_47 = tpu.memref_squeeze %dma_start3A_46 : memref<1x128xi32, #tpu.memory_space<vmem>> -> memref<128xi32, #tpu.memory_space<vmem>>
    %dma_start3A_48 = arith.constant 0 : i32
    %dma_start3A_49 = arith.constant 0 : i32
    %dma_start3A_50 = tpu.memref_slice %arg2[%dma_start3A_48, %dma_start3A_49] : memref<10240x16xf32, #tpu.memory_space<hbm>> -> memref<10240x16xf32, #tpu.memory_space<hbm>>
    %dma_start3A_51 = tpu.memref_slice %arg11[%dma_start3A_40] : memref<4x!tpu.dma_semaphore, #tpu.memory_space<semaphore_mem>> -> memref<1x!tpu.dma_semaphore, #tpu.memory_space<semaphore_mem>>
    %dma_start3A_52 = tpu.memref_squeeze %dma_start3A_51 : memref<1x!tpu.dma_semaphore, #tpu.memory_space<semaphore_mem>> -> memref<!tpu.dma_semaphore, #tpu.memory_space<semaphore_mem>>
    tpu.enqueue_indirect_dma source(%dma_start3A_50 : memref<10240x16xf32, #tpu.memory_space<hbm>>) target(%dma_start3A_44 : memref<128x16xf32, #tpu.memory_space<vmem>>) offsets(%dma_start3A_47 : memref<128xi32, #tpu.memory_space<vmem>>) semaphore(%dma_start3A_52 : memref<!tpu.dma_semaphore, #tpu.memory_space<semaphore_mem>>)
    %dma_start3A_53 = arith.constant 2 : i32
    %dma_start3A_54 = arith.constant 2 : i32
    %dma_start3A_55 = arith.constant 2 : i32
    %dma_start3A_56 = arith.constant 0 : i32
    %dma_start3A_57 = arith.constant 0 : i32
    %dma_start3A_58 = tpu.memref_slice %arg9[%dma_start3A_54, %dma_start3A_56, %dma_start3A_57] : memref<4x128x16xf32, #tpu.memory_space<vmem>> -> memref<1x128x16xf32, #tpu.memory_space<vmem>>
    %dma_start3A_59 = tpu.memref_squeeze %dma_start3A_58 : memref<1x128x16xf32, #tpu.memory_space<vmem>> -> memref<128x16xf32, #tpu.memory_space<vmem>>
    %dma_start3A_60 = arith.constant 0 : i32
    %dma_start3A_61 = tpu.memref_slice %arg7[%dma_start3A_53, %dma_start3A_60] : memref<94x128xi32, #tpu.memory_space<vmem>> -> memref<1x128xi32, #tpu.memory_space<vmem>>
    %dma_start3A_62 = tpu.memref_squeeze %dma_start3A_61 : memref<1x128xi32, #tpu.memory_space<vmem>> -> memref<128xi32, #tpu.memory_space<vmem>>
    %dma_start3A_63 = arith.constant 0 : i32
    %dma_start3A_64 = arith.constant 0 : i32
    %dma_start3A_65 = tpu.memref_slice %arg2[%dma_start3A_63, %dma_start3A_64] : memref<10240x16xf32, #tpu.memory_space<hbm>> -> memref<10240x16xf32, #tpu.memory_space<hbm>>
    %dma_start3A_66 = tpu.memref_slice %arg11[%dma_start3A_55] : memref<4x!tpu.dma_semaphore, #tpu.memory_space<semaphore_mem>> -> memref<1x!tpu.dma_semaphore, #tpu.memory_space<semaphore_mem>>
    %dma_start3A_67 = tpu.memref_squeeze %dma_start3A_66 : memref<1x!tpu.dma_semaphore, #tpu.memory_space<semaphore_mem>> -> memref<!tpu.dma_semaphore, #tpu.memory_space<semaphore_mem>>
    tpu.enqueue_indirect_dma source(%dma_start3A_65 : memref<10240x16xf32, #tpu.memory_space<hbm>>) target(%dma_start3A_59 : memref<128x16xf32, #tpu.memory_space<vmem>>) offsets(%dma_start3A_62 : memref<128xi32, #tpu.memory_space<vmem>>) semaphore(%dma_start3A_67 : memref<!tpu.dma_semaphore, #tpu.memory_space<semaphore_mem>>)
    %while3A = arith.constant 0 : i32
    %while3A_68 = arith.constant 0 : i32
    %while3A_69 = arith.subi %select_n3A_2, %while3A_68 : i32
    %while3A_70 = arith.addi %while3A_68, %while3A_69 : i32
    %while3A_71 = arith.constant 1 : i32
    %while3A_72 = arith.divsi %while3A_69, %while3A_71 : i32
    %while3A_73 = arith.muli %while3A_72, %while3A_71 : i32
    %while3A_74 = arith.addi %while3A_68, %while3A_73 : i32
    %while3A_75 = arith.constant 1 : i32
    scf.for %while3A_158 = %while3A_68 to %while3A_74 step %while3A_75  : i32 {
      %rem3A_159 = arith.constant 4 : i32
      %rem3A_160 = arith.remsi %while3A_158, %rem3A_159 : i32
      %dma_wait3A_161 = arith.constant 0 : i32
      %dma_wait3A_162 = arith.constant 0 : i32
      %dma_wait3A_163 = tpu.memref_slice %arg9[%rem3A_160, %dma_wait3A_161, %dma_wait3A_162] : memref<4x128x16xf32, #tpu.memory_space<vmem>> -> memref<1x128x16xf32, #tpu.memory_space<vmem>>
      %dma_wait3A_164 = tpu.memref_squeeze %dma_wait3A_163 : memref<1x128x16xf32, #tpu.memory_space<vmem>> -> memref<128x16xf32, #tpu.memory_space<vmem>>
      %dma_wait3A_165 = arith.constant 0 : i32
      %dma_wait3A_166 = tpu.memref_slice %arg7[%while3A_158, %dma_wait3A_165] : memref<94x128xi32, #tpu.memory_space<vmem>> -> memref<1x128xi32, #tpu.memory_space<vmem>>
      %dma_wait3A_167 = tpu.memref_squeeze %dma_wait3A_166 : memref<1x128xi32, #tpu.memory_space<vmem>> -> memref<128xi32, #tpu.memory_space<vmem>>
      %dma_wait3A_168 = arith.constant 0 : i32
      %dma_wait3A_169 = arith.constant 0 : i32
      %dma_wait3A_170 = tpu.memref_slice %arg2[%dma_wait3A_168, %dma_wait3A_169] : memref<10240x16xf32, #tpu.memory_space<hbm>> -> memref<10240x16xf32, #tpu.memory_space<hbm>>
      %dma_wait3A_171 = tpu.memref_slice %arg11[%rem3A_160] : memref<4x!tpu.dma_semaphore, #tpu.memory_space<semaphore_mem>> -> memref<1x!tpu.dma_semaphore, #tpu.memory_space<semaphore_mem>>
      %dma_wait3A_172 = tpu.memref_squeeze %dma_wait3A_171 : memref<1x!tpu.dma_semaphore, #tpu.memory_space<semaphore_mem>> -> memref<!tpu.dma_semaphore, #tpu.memory_space<semaphore_mem>>
      tpu.wait_indirect_dma semaphore(%dma_wait3A_172 : memref<!tpu.dma_semaphore, #tpu.memory_space<semaphore_mem>>) src(%dma_wait3A_170 : memref<10240x16xf32, #tpu.memory_space<hbm>>) dst(%dma_wait3A_164 : memref<128x16xf32, #tpu.memory_space<vmem>>)
      %dma_start3A_173 = arith.constant 0 : i32
      %dma_start3A_174 = arith.constant 0 : i32
      %dma_start3A_175 = tpu.memref_slice %arg9[%rem3A_160, %dma_start3A_173, %dma_start3A_174] : memref<4x128x16xf32, #tpu.memory_space<vmem>> -> memref<1x128x16xf32, #tpu.memory_space<vmem>>
      %dma_start3A_176 = tpu.memref_squeeze %dma_start3A_175 : memref<1x128x16xf32, #tpu.memory_space<vmem>> -> memref<128x16xf32, #tpu.memory_space<vmem>>
      %dma_start3A_177 = arith.constant 0 : i32
      %dma_start3A_178 = tpu.memref_slice %arg8[%while3A_158, %dma_start3A_177] : memref<94x128xi32, #tpu.memory_space<vmem>> -> memref<1x128xi32, #tpu.memory_space<vmem>>
      %dma_start3A_179 = tpu.memref_squeeze %dma_start3A_178 : memref<1x128xi32, #tpu.memory_space<vmem>> -> memref<128xi32, #tpu.memory_space<vmem>>
      %dma_start3A_180 = arith.constant 0 : i32
      %dma_start3A_181 = arith.constant 0 : i32
      %dma_start3A_182 = tpu.memref_slice %arg10[%dma_start3A_180, %dma_start3A_181] : memref<10240x16xf32, #tpu.memory_space<vmem_shared>> -> memref<10240x16xf32, #tpu.memory_space<vmem_shared>>
      %dma_start3A_183 = tpu.memref_slice %arg12[%rem3A_160] : memref<4x!tpu.dma_semaphore, #tpu.memory_space<semaphore_mem>> -> memref<1x!tpu.dma_semaphore, #tpu.memory_space<semaphore_mem>>
      %dma_start3A_184 = tpu.memref_squeeze %dma_start3A_183 : memref<1x!tpu.dma_semaphore, #tpu.memory_space<semaphore_mem>> -> memref<!tpu.dma_semaphore, #tpu.memory_space<semaphore_mem>>
      tpu.enqueue_indirect_dma source(%dma_start3A_176 : memref<128x16xf32, #tpu.memory_space<vmem>>) target(%dma_start3A_182 : memref<10240x16xf32, #tpu.memory_space<vmem_shared>>) offsets(%dma_start3A_179 : memref<128xi32, #tpu.memory_space<vmem>>) semaphore(%dma_start3A_184 : memref<!tpu.dma_semaphore, #tpu.memory_space<semaphore_mem>>) {add = true}
      %add3A_185 = arith.constant 4 : i32
      %add3A_186 = arith.addi %while3A_158, %add3A_185 : i32
      %sub3A_187 = arith.constant 1 : i32
      %sub3A_188 = arith.subi %add3A_186, %sub3A_187 : i32
      %lt3A = arith.cmpi slt, %sub3A_188, %select_n3A_2 : i32
      %convert_element_type3A_189 = arith.extui %lt3A : i1 to i32
      %cond3A_190 = arith.constant 0 : i32
      %cond3A_191 = arith.cmpi ne, %convert_element_type3A_189, %cond3A_190 : i32
      scf.if %cond3A_191 {
        %add3A_192 = arith.constant 4 : i32
        %add3A_193 = arith.addi %while3A_158, %add3A_192 : i32
        %sub3A_194 = arith.constant 1 : i32
        %sub3A_195 = arith.subi %add3A_193, %sub3A_194 : i32
        %rem3A_196 = arith.constant 4 : i32
        %rem3A_197 = arith.remsi %sub3A_195, %rem3A_196 : i32
        %ge3A = arith.constant 1 : i32
        %ge3A_198 = arith.cmpi sge, %while3A_158, %ge3A : i32
        %convert_element_type3A_199 = arith.extui %ge3A_198 : i1 to i32
        %cond3A_200 = arith.constant 0 : i32
        %cond3A_201 = arith.cmpi ne, %convert_element_type3A_199, %cond3A_200 : i32
        scf.if %cond3A_201 {
          %sub3A_218 = arith.constant 1 : i32
          %sub3A_219 = arith.subi %while3A_158, %sub3A_218 : i32
          %dma_wait3A_220 = arith.constant 0 : i32
          %dma_wait3A_221 = arith.constant 0 : i32
          %dma_wait3A_222 = tpu.memref_slice %arg9[%rem3A_197, %dma_wait3A_220, %dma_wait3A_221] : memref<4x128x16xf32, #tpu.memory_space<vmem>> -> memref<1x128x16xf32, #tpu.memory_space<vmem>>
          %dma_wait3A_223 = tpu.memref_squeeze %dma_wait3A_222 : memref<1x128x16xf32, #tpu.memory_space<vmem>> -> memref<128x16xf32, #tpu.memory_space<vmem>>
          %dma_wait3A_224 = arith.constant 0 : i32
          %dma_wait3A_225 = tpu.memref_slice %arg8[%sub3A_219, %dma_wait3A_224] : memref<94x128xi32, #tpu.memory_space<vmem>> -> memref<1x128xi32, #tpu.memory_space<vmem>>
          %dma_wait3A_226 = tpu.memref_squeeze %dma_wait3A_225 : memref<1x128xi32, #tpu.memory_space<vmem>> -> memref<128xi32, #tpu.memory_space<vmem>>
          %dma_wait3A_227 = arith.constant 0 : i32
          %dma_wait3A_228 = arith.constant 0 : i32
          %dma_wait3A_229 = tpu.memref_slice %arg10[%dma_wait3A_227, %dma_wait3A_228] : memref<10240x16xf32, #tpu.memory_space<vmem_shared>> -> memref<10240x16xf32, #tpu.memory_space<vmem_shared>>
          %dma_wait3A_230 = tpu.memref_slice %arg12[%rem3A_197] : memref<4x!tpu.dma_semaphore, #tpu.memory_space<semaphore_mem>> -> memref<1x!tpu.dma_semaphore, #tpu.memory_space<semaphore_mem>>
          %dma_wait3A_231 = tpu.memref_squeeze %dma_wait3A_230 : memref<1x!tpu.dma_semaphore, #tpu.memory_space<semaphore_mem>> -> memref<!tpu.dma_semaphore, #tpu.memory_space<semaphore_mem>>
          tpu.wait_indirect_dma semaphore(%dma_wait3A_231 : memref<!tpu.dma_semaphore, #tpu.memory_space<semaphore_mem>>) src(%dma_wait3A_223 : memref<128x16xf32, #tpu.memory_space<vmem>>) dst(%dma_wait3A_229 : memref<10240x16xf32, #tpu.memory_space<vmem_shared>>)
        } else {
        }
        %add3A_202 = arith.constant 4 : i32
        %add3A_203 = arith.addi %while3A_158, %add3A_202 : i32
        %sub3A_204 = arith.constant 1 : i32
        %sub3A_205 = arith.subi %add3A_203, %sub3A_204 : i32
        %dma_start3A_206 = arith.constant 0 : i32
        %dma_start3A_207 = arith.constant 0 : i32
        %dma_start3A_208 = tpu.memref_slice %arg9[%rem3A_197, %dma_start3A_206, %dma_start3A_207] : memref<4x128x16xf32, #tpu.memory_space<vmem>> -> memref<1x128x16xf32, #tpu.memory_space<vmem>>
        %dma_start3A_209 = tpu.memref_squeeze %dma_start3A_208 : memref<1x128x16xf32, #tpu.memory_space<vmem>> -> memref<128x16xf32, #tpu.memory_space<vmem>>
        %dma_start3A_210 = arith.constant 0 : i32
        %dma_start3A_211 = tpu.memref_slice %arg7[%sub3A_205, %dma_start3A_210] : memref<94x128xi32, #tpu.memory_space<vmem>> -> memref<1x128xi32, #tpu.memory_space<vmem>>
        %dma_start3A_212 = tpu.memref_squeeze %dma_start3A_211 : memref<1x128xi32, #tpu.memory_space<vmem>> -> memref<128xi32, #tpu.memory_space<vmem>>
        %dma_start3A_213 = arith.constant 0 : i32
        %dma_start3A_214 = arith.constant 0 : i32
        %dma_start3A_215 = tpu.memref_slice %arg2[%dma_start3A_213, %dma_start3A_214] : memref<10240x16xf32, #tpu.memory_space<hbm>> -> memref<10240x16xf32, #tpu.memory_space<hbm>>
        %dma_start3A_216 = tpu.memref_slice %arg11[%rem3A_197] : memref<4x!tpu.dma_semaphore, #tpu.memory_space<semaphore_mem>> -> memref<1x!tpu.dma_semaphore, #tpu.memory_space<semaphore_mem>>
        %dma_start3A_217 = tpu.memref_squeeze %dma_start3A_216 : memref<1x!tpu.dma_semaphore, #tpu.memory_space<semaphore_mem>> -> memref<!tpu.dma_semaphore, #tpu.memory_space<semaphore_mem>>
        tpu.enqueue_indirect_dma source(%dma_start3A_215 : memref<10240x16xf32, #tpu.memory_space<hbm>>) target(%dma_start3A_209 : memref<128x16xf32, #tpu.memory_space<vmem>>) offsets(%dma_start3A_212 : memref<128xi32, #tpu.memory_space<vmem>>) semaphore(%dma_start3A_217 : memref<!tpu.dma_semaphore, #tpu.memory_space<semaphore_mem>>)
      } else {
      }
    }
    %while3A_76 = arith.constant 1 : i32
    scf.for %while3A_158 = %while3A_74 to %while3A_70 step %while3A_76  : i32 {
      %rem3A_159 = arith.constant 4 : i32
      %rem3A_160 = arith.remsi %while3A_158, %rem3A_159 : i32
      %dma_wait3A_161 = arith.constant 0 : i32
      %dma_wait3A_162 = arith.constant 0 : i32
      %dma_wait3A_163 = tpu.memref_slice %arg9[%rem3A_160, %dma_wait3A_161, %dma_wait3A_162] : memref<4x128x16xf32, #tpu.memory_space<vmem>> -> memref<1x128x16xf32, #tpu.memory_space<vmem>>
      %dma_wait3A_164 = tpu.memref_squeeze %dma_wait3A_163 : memref<1x128x16xf32, #tpu.memory_space<vmem>> -> memref<128x16xf32, #tpu.memory_space<vmem>>
      %dma_wait3A_165 = arith.constant 0 : i32
      %dma_wait3A_166 = tpu.memref_slice %arg7[%while3A_158, %dma_wait3A_165] : memref<94x128xi32, #tpu.memory_space<vmem>> -> memref<1x128xi32, #tpu.memory_space<vmem>>
      %dma_wait3A_167 = tpu.memref_squeeze %dma_wait3A_166 : memref<1x128xi32, #tpu.memory_space<vmem>> -> memref<128xi32, #tpu.memory_space<vmem>>
      %dma_wait3A_168 = arith.constant 0 : i32
      %dma_wait3A_169 = arith.constant 0 : i32
      %dma_wait3A_170 = tpu.memref_slice %arg2[%dma_wait3A_168, %dma_wait3A_169] : memref<10240x16xf32, #tpu.memory_space<hbm>> -> memref<10240x16xf32, #tpu.memory_space<hbm>>
      %dma_wait3A_171 = tpu.memref_slice %arg11[%rem3A_160] : memref<4x!tpu.dma_semaphore, #tpu.memory_space<semaphore_mem>> -> memref<1x!tpu.dma_semaphore, #tpu.memory_space<semaphore_mem>>
      %dma_wait3A_172 = tpu.memref_squeeze %dma_wait3A_171 : memref<1x!tpu.dma_semaphore, #tpu.memory_space<semaphore_mem>> -> memref<!tpu.dma_semaphore, #tpu.memory_space<semaphore_mem>>
      tpu.wait_indirect_dma semaphore(%dma_wait3A_172 : memref<!tpu.dma_semaphore, #tpu.memory_space<semaphore_mem>>) src(%dma_wait3A_170 : memref<10240x16xf32, #tpu.memory_space<hbm>>) dst(%dma_wait3A_164 : memref<128x16xf32, #tpu.memory_space<vmem>>)
      %dma_start3A_173 = arith.constant 0 : i32
      %dma_start3A_174 = arith.constant 0 : i32
      %dma_start3A_175 = tpu.memref_slice %arg9[%rem3A_160, %dma_start3A_173, %dma_start3A_174] : memref<4x128x16xf32, #tpu.memory_space<vmem>> -> memref<1x128x16xf32, #tpu.memory_space<vmem>>
      %dma_start3A_176 = tpu.memref_squeeze %dma_start3A_175 : memref<1x128x16xf32, #tpu.memory_space<vmem>> -> memref<128x16xf32, #tpu.memory_space<vmem>>
      %dma_start3A_177 = arith.constant 0 : i32
      %dma_start3A_178 = tpu.memref_slice %arg8[%while3A_158, %dma_start3A_177] : memref<94x128xi32, #tpu.memory_space<vmem>> -> memref<1x128xi32, #tpu.memory_space<vmem>>
      %dma_start3A_179 = tpu.memref_squeeze %dma_start3A_178 : memref<1x128xi32, #tpu.memory_space<vmem>> -> memref<128xi32, #tpu.memory_space<vmem>>
      %dma_start3A_180 = arith.constant 0 : i32
      %dma_start3A_181 = arith.constant 0 : i32
      %dma_start3A_182 = tpu.memref_slice %arg10[%dma_start3A_180, %dma_start3A_181] : memref<10240x16xf32, #tpu.memory_space<vmem_shared>> -> memref<10240x16xf32, #tpu.memory_space<vmem_shared>>
      %dma_start3A_183 = tpu.memref_slice %arg12[%rem3A_160] : memref<4x!tpu.dma_semaphore, #tpu.memory_space<semaphore_mem>> -> memref<1x!tpu.dma_semaphore, #tpu.memory_space<semaphore_mem>>
      %dma_start3A_184 = tpu.memref_squeeze %dma_start3A_183 : memref<1x!tpu.dma_semaphore, #tpu.memory_space<semaphore_mem>> -> memref<!tpu.dma_semaphore, #tpu.memory_space<semaphore_mem>>
      tpu.enqueue_indirect_dma source(%dma_start3A_176 : memref<128x16xf32, #tpu.memory_space<vmem>>) target(%dma_start3A_182 : memref<10240x16xf32, #tpu.memory_space<vmem_shared>>) offsets(%dma_start3A_179 : memref<128xi32, #tpu.memory_space<vmem>>) semaphore(%dma_start3A_184 : memref<!tpu.dma_semaphore, #tpu.memory_space<semaphore_mem>>) {add = true}
      %add3A_185 = arith.constant 4 : i32
      %add3A_186 = arith.addi %while3A_158, %add3A_185 : i32
      %sub3A_187 = arith.constant 1 : i32
      %sub3A_188 = arith.subi %add3A_186, %sub3A_187 : i32
      %lt3A = arith.cmpi slt, %sub3A_188, %select_n3A_2 : i32
      %convert_element_type3A_189 = arith.extui %lt3A : i1 to i32
      %cond3A_190 = arith.constant 0 : i32
      %cond3A_191 = arith.cmpi ne, %convert_element_type3A_189, %cond3A_190 : i32
      scf.if %cond3A_191 {
        %add3A_192 = arith.constant 4 : i32
        %add3A_193 = arith.addi %while3A_158, %add3A_192 : i32
        %sub3A_194 = arith.constant 1 : i32
        %sub3A_195 = arith.subi %add3A_193, %sub3A_194 : i32
        %rem3A_196 = arith.constant 4 : i32
        %rem3A_197 = arith.remsi %sub3A_195, %rem3A_196 : i32
        %ge3A = arith.constant 1 : i32
        %ge3A_198 = arith.cmpi sge, %while3A_158, %ge3A : i32
        %convert_element_type3A_199 = arith.extui %ge3A_198 : i1 to i32
        %cond3A_200 = arith.constant 0 : i32
        %cond3A_201 = arith.cmpi ne, %convert_element_type3A_199, %cond3A_200 : i32
        scf.if %cond3A_201 {
          %sub3A_218 = arith.constant 1 : i32
          %sub3A_219 = arith.subi %while3A_158, %sub3A_218 : i32
          %dma_wait3A_220 = arith.constant 0 : i32
          %dma_wait3A_221 = arith.constant 0 : i32
          %dma_wait3A_222 = tpu.memref_slice %arg9[%rem3A_197, %dma_wait3A_220, %dma_wait3A_221] : memref<4x128x16xf32, #tpu.memory_space<vmem>> -> memref<1x128x16xf32, #tpu.memory_space<vmem>>
          %dma_wait3A_223 = tpu.memref_squeeze %dma_wait3A_222 : memref<1x128x16xf32, #tpu.memory_space<vmem>> -> memref<128x16xf32, #tpu.memory_space<vmem>>
          %dma_wait3A_224 = arith.constant 0 : i32
          %dma_wait3A_225 = tpu.memref_slice %arg8[%sub3A_219, %dma_wait3A_224] : memref<94x128xi32, #tpu.memory_space<vmem>> -> memref<1x128xi32, #tpu.memory_space<vmem>>
          %dma_wait3A_226 = tpu.memref_squeeze %dma_wait3A_225 : memref<1x128xi32, #tpu.memory_space<vmem>> -> memref<128xi32, #tpu.memory_space<vmem>>
          %dma_wait3A_227 = arith.constant 0 : i32
          %dma_wait3A_228 = arith.constant 0 : i32
          %dma_wait3A_229 = tpu.memref_slice %arg10[%dma_wait3A_227, %dma_wait3A_228] : memref<10240x16xf32, #tpu.memory_space<vmem_shared>> -> memref<10240x16xf32, #tpu.memory_space<vmem_shared>>
          %dma_wait3A_230 = tpu.memref_slice %arg12[%rem3A_197] : memref<4x!tpu.dma_semaphore, #tpu.memory_space<semaphore_mem>> -> memref<1x!tpu.dma_semaphore, #tpu.memory_space<semaphore_mem>>
          %dma_wait3A_231 = tpu.memref_squeeze %dma_wait3A_230 : memref<1x!tpu.dma_semaphore, #tpu.memory_space<semaphore_mem>> -> memref<!tpu.dma_semaphore, #tpu.memory_space<semaphore_mem>>
          tpu.wait_indirect_dma semaphore(%dma_wait3A_231 : memref<!tpu.dma_semaphore, #tpu.memory_space<semaphore_mem>>) src(%dma_wait3A_223 : memref<128x16xf32, #tpu.memory_space<vmem>>) dst(%dma_wait3A_229 : memref<10240x16xf32, #tpu.memory_space<vmem_shared>>)
        } else {
        }
        %add3A_202 = arith.constant 4 : i32
        %add3A_203 = arith.addi %while3A_158, %add3A_202 : i32
        %sub3A_204 = arith.constant 1 : i32
        %sub3A_205 = arith.subi %add3A_203, %sub3A_204 : i32
        %dma_start3A_206 = arith.constant 0 : i32
        %dma_start3A_207 = arith.constant 0 : i32
        %dma_start3A_208 = tpu.memref_slice %arg9[%rem3A_197, %dma_start3A_206, %dma_start3A_207] : memref<4x128x16xf32, #tpu.memory_space<vmem>> -> memref<1x128x16xf32, #tpu.memory_space<vmem>>
        %dma_start3A_209 = tpu.memref_squeeze %dma_start3A_208 : memref<1x128x16xf32, #tpu.memory_space<vmem>> -> memref<128x16xf32, #tpu.memory_space<vmem>>
        %dma_start3A_210 = arith.constant 0 : i32
        %dma_start3A_211 = tpu.memref_slice %arg7[%sub3A_205, %dma_start3A_210] : memref<94x128xi32, #tpu.memory_space<vmem>> -> memref<1x128xi32, #tpu.memory_space<vmem>>
        %dma_start3A_212 = tpu.memref_squeeze %dma_start3A_211 : memref<1x128xi32, #tpu.memory_space<vmem>> -> memref<128xi32, #tpu.memory_space<vmem>>
        %dma_start3A_213 = arith.constant 0 : i32
        %dma_start3A_214 = arith.constant 0 : i32
        %dma_start3A_215 = tpu.memref_slice %arg2[%dma_start3A_213, %dma_start3A_214] : memref<10240x16xf32, #tpu.memory_space<hbm>> -> memref<10240x16xf32, #tpu.memory_space<hbm>>
        %dma_start3A_216 = tpu.memref_slice %arg11[%rem3A_197] : memref<4x!tpu.dma_semaphore, #tpu.memory_space<semaphore_mem>> -> memref<1x!tpu.dma_semaphore, #tpu.memory_space<semaphore_mem>>
        %dma_start3A_217 = tpu.memref_squeeze %dma_start3A_216 : memref<1x!tpu.dma_semaphore, #tpu.memory_space<semaphore_mem>> -> memref<!tpu.dma_semaphore, #tpu.memory_space<semaphore_mem>>
        tpu.enqueue_indirect_dma source(%dma_start3A_215 : memref<10240x16xf32, #tpu.memory_space<hbm>>) target(%dma_start3A_209 : memref<128x16xf32, #tpu.memory_space<vmem>>) offsets(%dma_start3A_212 : memref<128xi32, #tpu.memory_space<vmem>>) semaphore(%dma_start3A_217 : memref<!tpu.dma_semaphore, #tpu.memory_space<semaphore_mem>>)
      } else {
      }
    }
    %sub3A = arith.constant 4 : i32
    %sub3A_77 = arith.subi %select_n3A_2, %sub3A : i32
    %add3A = arith.constant 0 : i32
    %add3A_78 = arith.addi %sub3A_77, %add3A : i32
    %rem3A = arith.constant 4 : i32
    %rem3A_79 = arith.remsi %add3A_78, %rem3A : i32
    %rem3A_80 = arith.constant 4 : i32
    %rem3A_81 = arith.remsi %add3A_78, %rem3A_80 : i32
    %dma_wait3A = arith.constant 0 : i32
    %dma_wait3A_82 = arith.constant 0 : i32
    %dma_wait3A_83 = tpu.memref_slice %arg9[%rem3A_79, %dma_wait3A, %dma_wait3A_82] : memref<4x128x16xf32, #tpu.memory_space<vmem>> -> memref<1x128x16xf32, #tpu.memory_space<vmem>>
    %dma_wait3A_84 = tpu.memref_squeeze %dma_wait3A_83 : memref<1x128x16xf32, #tpu.memory_space<vmem>> -> memref<128x16xf32, #tpu.memory_space<vmem>>
    %dma_wait3A_85 = arith.constant 0 : i32
    %dma_wait3A_86 = tpu.memref_slice %arg8[%add3A_78, %dma_wait3A_85] : memref<94x128xi32, #tpu.memory_space<vmem>> -> memref<1x128xi32, #tpu.memory_space<vmem>>
    %dma_wait3A_87 = tpu.memref_squeeze %dma_wait3A_86 : memref<1x128xi32, #tpu.memory_space<vmem>> -> memref<128xi32, #tpu.memory_space<vmem>>
    %dma_wait3A_88 = arith.constant 0 : i32
    %dma_wait3A_89 = arith.constant 0 : i32
    %dma_wait3A_90 = tpu.memref_slice %arg10[%dma_wait3A_88, %dma_wait3A_89] : memref<10240x16xf32, #tpu.memory_space<vmem_shared>> -> memref<10240x16xf32, #tpu.memory_space<vmem_shared>>
    %dma_wait3A_91 = tpu.memref_slice %arg12[%rem3A_81] : memref<4x!tpu.dma_semaphore, #tpu.memory_space<semaphore_mem>> -> memref<1x!tpu.dma_semaphore, #tpu.memory_space<semaphore_mem>>
    %dma_wait3A_92 = tpu.memref_squeeze %dma_wait3A_91 : memref<1x!tpu.dma_semaphore, #tpu.memory_space<semaphore_mem>> -> memref<!tpu.dma_semaphore, #tpu.memory_space<semaphore_mem>>
    tpu.wait_indirect_dma semaphore(%dma_wait3A_92 : memref<!tpu.dma_semaphore, #tpu.memory_space<semaphore_mem>>) src(%dma_wait3A_84 : memref<128x16xf32, #tpu.memory_space<vmem>>) dst(%dma_wait3A_90 : memref<10240x16xf32, #tpu.memory_space<vmem_shared>>)
    %sub3A_93 = arith.constant 4 : i32
    %sub3A_94 = arith.subi %select_n3A_2, %sub3A_93 : i32
    %add3A_95 = arith.constant 1 : i32
    %add3A_96 = arith.addi %sub3A_94, %add3A_95 : i32
    %rem3A_97 = arith.constant 4 : i32
    %rem3A_98 = arith.remsi %add3A_96, %rem3A_97 : i32
    %rem3A_99 = arith.constant 4 : i32
    %rem3A_100 = arith.remsi %add3A_96, %rem3A_99 : i32
    %dma_wait3A_101 = arith.constant 0 : i32
    %dma_wait3A_102 = arith.constant 0 : i32
    %dma_wait3A_103 = tpu.memref_slice %arg9[%rem3A_98, %dma_wait3A_101, %dma_wait3A_102] : memref<4x128x16xf32, #tpu.memory_space<vmem>> -> memref<1x128x16xf32, #tpu.memory_space<vmem>>
    %dma_wait3A_104 = tpu.memref_squeeze %dma_wait3A_103 : memref<1x128x16xf32, #tpu.memory_space<vmem>> -> memref<128x16xf32, #tpu.memory_space<vmem>>
    %dma_wait3A_105 = arith.constant 0 : i32
    %dma_wait3A_106 = tpu.memref_slice %arg8[%add3A_96, %dma_wait3A_105] : memref<94x128xi32, #tpu.memory_space<vmem>> -> memref<1x128xi32, #tpu.memory_space<vmem>>
    %dma_wait3A_107 = tpu.memref_squeeze %dma_wait3A_106 : memref<1x128xi32, #tpu.memory_space<vmem>> -> memref<128xi32, #tpu.memory_space<vmem>>
    %dma_wait3A_108 = arith.constant 0 : i32
    %dma_wait3A_109 = arith.constant 0 : i32
    %dma_wait3A_110 = tpu.memref_slice %arg10[%dma_wait3A_108, %dma_wait3A_109] : memref<10240x16xf32, #tpu.memory_space<vmem_shared>> -> memref<10240x16xf32, #tpu.memory_space<vmem_shared>>
    %dma_wait3A_111 = tpu.memref_slice %arg12[%rem3A_100] : memref<4x!tpu.dma_semaphore, #tpu.memory_space<semaphore_mem>> -> memref<1x!tpu.dma_semaphore, #tpu.memory_space<semaphore_mem>>
    %dma_wait3A_112 = tpu.memref_squeeze %dma_wait3A_111 : memref<1x!tpu.dma_semaphore, #tpu.memory_space<semaphore_mem>> -> memref<!tpu.dma_semaphore, #tpu.memory_space<semaphore_mem>>
    tpu.wait_indirect_dma semaphore(%dma_wait3A_112 : memref<!tpu.dma_semaphore, #tpu.memory_space<semaphore_mem>>) src(%dma_wait3A_104 : memref<128x16xf32, #tpu.memory_space<vmem>>) dst(%dma_wait3A_110 : memref<10240x16xf32, #tpu.memory_space<vmem_shared>>)
    %sub3A_113 = arith.constant 4 : i32
    %sub3A_114 = arith.subi %select_n3A_2, %sub3A_113 : i32
    %add3A_115 = arith.constant 2 : i32
    %add3A_116 = arith.addi %sub3A_114, %add3A_115 : i32
    %rem3A_117 = arith.constant 4 : i32
    %rem3A_118 = arith.remsi %add3A_116, %rem3A_117 : i32
    %rem3A_119 = arith.constant 4 : i32
    %rem3A_120 = arith.remsi %add3A_116, %rem3A_119 : i32
    %dma_wait3A_121 = arith.constant 0 : i32
    %dma_wait3A_122 = arith.constant 0 : i32
    %dma_wait3A_123 = tpu.memref_slice %arg9[%rem3A_118, %dma_wait3A_121, %dma_wait3A_122] : memref<4x128x16xf32, #tpu.memory_space<vmem>> -> memref<1x128x16xf32, #tpu.memory_space<vmem>>
    %dma_wait3A_124 = tpu.memref_squeeze %dma_wait3A_123 : memref<1x128x16xf32, #tpu.memory_space<vmem>> -> memref<128x16xf32, #tpu.memory_space<vmem>>
    %dma_wait3A_125 = arith.constant 0 : i32
    %dma_wait3A_126 = tpu.memref_slice %arg8[%add3A_116, %dma_wait3A_125] : memref<94x128xi32, #tpu.memory_space<vmem>> -> memref<1x128xi32, #tpu.memory_space<vmem>>
    %dma_wait3A_127 = tpu.memref_squeeze %dma_wait3A_126 : memref<1x128xi32, #tpu.memory_space<vmem>> -> memref<128xi32, #tpu.memory_space<vmem>>
    %dma_wait3A_128 = arith.constant 0 : i32
    %dma_wait3A_129 = arith.constant 0 : i32
    %dma_wait3A_130 = tpu.memref_slice %arg10[%dma_wait3A_128, %dma_wait3A_129] : memref<10240x16xf32, #tpu.memory_space<vmem_shared>> -> memref<10240x16xf32, #tpu.memory_space<vmem_shared>>
    %dma_wait3A_131 = tpu.memref_slice %arg12[%rem3A_120] : memref<4x!tpu.dma_semaphore, #tpu.memory_space<semaphore_mem>> -> memref<1x!tpu.dma_semaphore, #tpu.memory_space<semaphore_mem>>
    %dma_wait3A_132 = tpu.memref_squeeze %dma_wait3A_131 : memref<1x!tpu.dma_semaphore, #tpu.memory_space<semaphore_mem>> -> memref<!tpu.dma_semaphore, #tpu.memory_space<semaphore_mem>>
    tpu.wait_indirect_dma semaphore(%dma_wait3A_132 : memref<!tpu.dma_semaphore, #tpu.memory_space<semaphore_mem>>) src(%dma_wait3A_124 : memref<128x16xf32, #tpu.memory_space<vmem>>) dst(%dma_wait3A_130 : memref<10240x16xf32, #tpu.memory_space<vmem_shared>>)
    %sub3A_133 = arith.constant 4 : i32
    %sub3A_134 = arith.subi %select_n3A_2, %sub3A_133 : i32
    %add3A_135 = arith.constant 3 : i32
    %add3A_136 = arith.addi %sub3A_134, %add3A_135 : i32
    %rem3A_137 = arith.constant 4 : i32
    %rem3A_138 = arith.remsi %add3A_136, %rem3A_137 : i32
    %rem3A_139 = arith.constant 4 : i32
    %rem3A_140 = arith.remsi %add3A_136, %rem3A_139 : i32
    %dma_wait3A_141 = arith.constant 0 : i32
    %dma_wait3A_142 = arith.constant 0 : i32
    %dma_wait3A_143 = tpu.memref_slice %arg9[%rem3A_138, %dma_wait3A_141, %dma_wait3A_142] : memref<4x128x16xf32, #tpu.memory_space<vmem>> -> memref<1x128x16xf32, #tpu.memory_space<vmem>>
    %dma_wait3A_144 = tpu.memref_squeeze %dma_wait3A_143 : memref<1x128x16xf32, #tpu.memory_space<vmem>> -> memref<128x16xf32, #tpu.memory_space<vmem>>
    %dma_wait3A_145 = arith.constant 0 : i32
    %dma_wait3A_146 = tpu.memref_slice %arg8[%add3A_136, %dma_wait3A_145] : memref<94x128xi32, #tpu.memory_space<vmem>> -> memref<1x128xi32, #tpu.memory_space<vmem>>
    %dma_wait3A_147 = tpu.memref_squeeze %dma_wait3A_146 : memref<1x128xi32, #tpu.memory_space<vmem>> -> memref<128xi32, #tpu.memory_space<vmem>>
    %dma_wait3A_148 = arith.constant 0 : i32
    %dma_wait3A_149 = arith.constant 0 : i32
    %dma_wait3A_150 = tpu.memref_slice %arg10[%dma_wait3A_148, %dma_wait3A_149] : memref<10240x16xf32, #tpu.memory_space<vmem_shared>> -> memref<10240x16xf32, #tpu.memory_space<vmem_shared>>
    %dma_wait3A_151 = tpu.memref_slice %arg12[%rem3A_140] : memref<4x!tpu.dma_semaphore, #tpu.memory_space<semaphore_mem>> -> memref<1x!tpu.dma_semaphore, #tpu.memory_space<semaphore_mem>>
    %dma_wait3A_152 = tpu.memref_squeeze %dma_wait3A_151 : memref<1x!tpu.dma_semaphore, #tpu.memory_space<semaphore_mem>> -> memref<!tpu.dma_semaphore, #tpu.memory_space<semaphore_mem>>
    tpu.wait_indirect_dma semaphore(%dma_wait3A_152 : memref<!tpu.dma_semaphore, #tpu.memory_space<semaphore_mem>>) src(%dma_wait3A_144 : memref<128x16xf32, #tpu.memory_space<vmem>>) dst(%dma_wait3A_150 : memref<10240x16xf32, #tpu.memory_space<vmem_shared>>)
    %barrier3A_153 = arith.constant 0 : index
    tpu.barrier barrier_id(%barrier3A_153)
    %mul3A_154 = arith.constant 640 : i32
    %mul3A_155 = arith.muli %arg1, %mul3A_154 : i32
    %mul3A_156 = arith.constant 640 : i32
    %mul3A_157 = arith.muli %arg1, %mul3A_156 : i32
    "tpu.region"() ({
      %run_scoped3A = tpu.sem_alloc : memref<!tpu.dma_semaphore, #tpu.memory_space<semaphore_mem>>
      %dma_start3A_158 = arith.constant 0 : i32
      %dma_start3A_159 = tpu.memref_slice %arg6[%arg0, %mul3A_157, %dma_start3A_158] : memref<2x10240x16xf32, #tpu.memory_space<hbm>> -> memref<1x640x16xf32, #tpu.memory_space<hbm>>
      %dma_start3A_160 = tpu.memref_squeeze %dma_start3A_159 : memref<1x640x16xf32, #tpu.memory_space<hbm>> -> memref<640x16xf32, #tpu.memory_space<hbm>>
      %dma_start3A_161 = arith.constant 0 : i32
      %dma_start3A_162 = tpu.memref_slice %arg10[%mul3A_155, %dma_start3A_161] : memref<10240x16xf32, #tpu.memory_space<vmem_shared>> -> memref<640x16xf32, #tpu.memory_space<vmem_shared>>
      tpu.enqueue_dma source(%dma_start3A_162 : memref<640x16xf32, #tpu.memory_space<vmem_shared>>) target(%dma_start3A_160 : memref<640x16xf32, #tpu.memory_space<hbm>>) target_semaphore(%run_scoped3A : memref<!tpu.dma_semaphore, #tpu.memory_space<semaphore_mem>>)
      %dma_wait3A_163 = arith.constant 0 : i32
      %dma_wait3A_164 = tpu.memref_slice %arg6[%arg0, %mul3A_157, %dma_wait3A_163] : memref<2x10240x16xf32, #tpu.memory_space<hbm>> -> memref<1x640x16xf32, #tpu.memory_space<hbm>>
      %dma_wait3A_165 = tpu.memref_squeeze %dma_wait3A_164 : memref<1x640x16xf32, #tpu.memory_space<hbm>> -> memref<640x16xf32, #tpu.memory_space<hbm>>
      %dma_wait3A_166 = arith.constant 0 : i32
      %dma_wait3A_167 = tpu.memref_slice %arg10[%mul3A_155, %dma_wait3A_166] : memref<10240x16xf32, #tpu.memory_space<vmem_shared>> -> memref<640x16xf32, #tpu.memory_space<vmem_shared>>
      tpu.wait_dma2 semaphore(%run_scoped3A : memref<!tpu.dma_semaphore, #tpu.memory_space<semaphore_mem>>) src(%dma_wait3A_167 : memref<640x16xf32, #tpu.memory_space<vmem_shared>>) dst(%dma_wait3A_165 : memref<640x16xf32, #tpu.memory_space<hbm>>)
      tpu.yield
    }) : () -> ()
    return
  }
}

#map = affine_map<(d0, d1) -> (0, 0)>
#map1 = affine_map<(d0, d1) -> (0, 0, 0)>
module attributes {stable_mosaic.version = 14 : i64} {
  func.func @_agg_body(%arg0: i32, %arg1: i32, %arg2: memref<10240x16xf32, #tpu.memory_space<hbm>>, %arg3: memref<2560x128xi32, #tpu.memory_space<hbm>>, %arg4: memref<2560x128xi32, #tpu.memory_space<hbm>>, %arg5: memref<10240x16xf32, #tpu.memory_space<hbm>>, %arg6: memref<2x10240x16xf32, #tpu.memory_space<hbm>>, %arg7: memref<94x128xi32, #tpu.memory_space<vmem>>, %arg8: memref<94x128xi32, #tpu.memory_space<vmem>>, %arg9: memref<4x128x16xf32, #tpu.memory_space<vmem>>, %arg10: memref<10240x16xf32, #tpu.memory_space<vmem_shared>>, %arg11: memref<4x!tpu.dma_semaphore, #tpu.memory_space<semaphore_mem>>, %arg12: memref<4x!tpu.dma_semaphore, #tpu.memory_space<semaphore_mem>>) attributes {dimension_semantics = [#tpu.dimension_semantics<core_parallel>, #tpu.dimension_semantics<subcore_parallel>], iteration_bounds = array<i64: 2, 16>, scalar_prefetch = 0 : i64, scratch_operands = 6 : i64, tpu.core_type = #tpu.core_type<sc_vector_subcore>, window_params = [{transform_indices = #map}, {transform_indices = #map}, {transform_indices = #map}, {transform_indices = #map}, {transform_indices = #map1}]} {
    %eq3A = arith.constant 0 : i32
    %eq3A_0 = arith.cmpi eq, %arg0, %eq3A : i32
    %select_n3A = arith.constant 66 : i32
    %select_n3A_1 = arith.constant 94 : i32
    %select_n3A_2 = arith.select %eq3A_0, %select_n3A_1, %select_n3A : i32
    %eq3A_3 = arith.constant 0 : i32
    %eq3A_4 = arith.cmpi eq, %arg0, %eq3A_3 : i32
    %convert_element_type3A = arith.extui %eq3A_4 : i1 to i32
    %cond3A = arith.constant 0 : i32
    %cond3A_5 = arith.cmpi ne, %convert_element_type3A, %cond3A : i32
    scf.if %cond3A_5 {
      %mul3A_158 = arith.constant 94 : i32
      %mul3A_159 = arith.muli %arg1, %mul3A_158 : i32
      "tpu.region"() ({
        %run_scoped3A = tpu.sem_alloc : memref<!tpu.dma_semaphore, #tpu.memory_space<semaphore_mem>>
        %dma_start3A_160 = arith.constant 0 : i32
        %dma_start3A_161 = tpu.memref_slice %arg3[%mul3A_159, %dma_start3A_160] : memref<2560x128xi32, #tpu.memory_space<hbm>> -> memref<94x128xi32, #tpu.memory_space<hbm>>
        %dma_start3A_162 = arith.constant 0 : i32
        %dma_start3A_163 = tpu.memref_slice %arg3[%mul3A_159, %dma_start3A_162] : memref<2560x128xi32, #tpu.memory_space<hbm>> -> memref<94x128xi32, #tpu.memory_space<hbm>>
        tpu.enqueue_dma source(%dma_start3A_163 : memref<94x128xi32, #tpu.memory_space<hbm>>) target(%arg7 : memref<94x128xi32, #tpu.memory_space<vmem>>) target_semaphore(%run_scoped3A : memref<!tpu.dma_semaphore, #tpu.memory_space<semaphore_mem>>)
        %dma_wait3A_164 = arith.constant 0 : i32
        %dma_wait3A_165 = tpu.memref_slice %arg3[%mul3A_159, %dma_wait3A_164] : memref<2560x128xi32, #tpu.memory_space<hbm>> -> memref<94x128xi32, #tpu.memory_space<hbm>>
        %dma_wait3A_166 = arith.constant 0 : i32
        %dma_wait3A_167 = tpu.memref_slice %arg3[%mul3A_159, %dma_wait3A_166] : memref<2560x128xi32, #tpu.memory_space<hbm>> -> memref<94x128xi32, #tpu.memory_space<hbm>>
        tpu.wait_dma2 semaphore(%run_scoped3A : memref<!tpu.dma_semaphore, #tpu.memory_space<semaphore_mem>>) src(%dma_wait3A_167 : memref<94x128xi32, #tpu.memory_space<hbm>>) dst(%arg7 : memref<94x128xi32, #tpu.memory_space<vmem>>)
        tpu.yield
      }) : () -> ()
    } else {
    }
    %eq3A_6 = arith.constant 1 : i32
    %eq3A_7 = arith.cmpi eq, %arg0, %eq3A_6 : i32
    %convert_element_type3A_8 = arith.extui %eq3A_7 : i1 to i32
    %cond3A_9 = arith.constant 0 : i32
    %cond3A_10 = arith.cmpi ne, %convert_element_type3A_8, %cond3A_9 : i32
    scf.if %cond3A_10 {
      %mul3A_158 = arith.constant 66 : i32
      %mul3A_159 = arith.muli %arg1, %mul3A_158 : i32
      %add3A_160 = arith.constant 1504 : i32
      %add3A_161 = arith.addi %add3A_160, %mul3A_159 : i32
      "tpu.region"() ({
        %run_scoped3A = tpu.sem_alloc : memref<!tpu.dma_semaphore, #tpu.memory_space<semaphore_mem>>
        %dma_start3A_162 = arith.constant 0 : i32
        %dma_start3A_163 = arith.constant 0 : i32
        %dma_start3A_164 = tpu.memref_slice %arg7[%dma_start3A_162, %dma_start3A_163] : memref<94x128xi32, #tpu.memory_space<vmem>> -> memref<66x128xi32, #tpu.memory_space<vmem>>
        %dma_start3A_165 = arith.constant 0 : i32
        %dma_start3A_166 = tpu.memref_slice %arg3[%add3A_161, %dma_start3A_165] : memref<2560x128xi32, #tpu.memory_space<hbm>> -> memref<66x128xi32, #tpu.memory_space<hbm>>
        %dma_start3A_167 = arith.constant 0 : i32
        %dma_start3A_168 = arith.constant 0 : i32
        %dma_start3A_169 = tpu.memref_slice %arg7[%dma_start3A_167, %dma_start3A_168] : memref<94x128xi32, #tpu.memory_space<vmem>> -> memref<66x128xi32, #tpu.memory_space<vmem>>
        %dma_start3A_170 = arith.constant 0 : i32
        %dma_start3A_171 = tpu.memref_slice %arg3[%add3A_161, %dma_start3A_170] : memref<2560x128xi32, #tpu.memory_space<hbm>> -> memref<66x128xi32, #tpu.memory_space<hbm>>
        tpu.enqueue_dma source(%dma_start3A_171 : memref<66x128xi32, #tpu.memory_space<hbm>>) target(%dma_start3A_169 : memref<66x128xi32, #tpu.memory_space<vmem>>) target_semaphore(%run_scoped3A : memref<!tpu.dma_semaphore, #tpu.memory_space<semaphore_mem>>)
        %dma_wait3A_172 = arith.constant 0 : i32
        %dma_wait3A_173 = arith.constant 0 : i32
        %dma_wait3A_174 = tpu.memref_slice %arg7[%dma_wait3A_172, %dma_wait3A_173] : memref<94x128xi32, #tpu.memory_space<vmem>> -> memref<66x128xi32, #tpu.memory_space<vmem>>
        %dma_wait3A_175 = arith.constant 0 : i32
        %dma_wait3A_176 = tpu.memref_slice %arg3[%add3A_161, %dma_wait3A_175] : memref<2560x128xi32, #tpu.memory_space<hbm>> -> memref<66x128xi32, #tpu.memory_space<hbm>>
        %dma_wait3A_177 = arith.constant 0 : i32
        %dma_wait3A_178 = arith.constant 0 : i32
        %dma_wait3A_179 = tpu.memref_slice %arg7[%dma_wait3A_177, %dma_wait3A_178] : memref<94x128xi32, #tpu.memory_space<vmem>> -> memref<66x128xi32, #tpu.memory_space<vmem>>
        %dma_wait3A_180 = arith.constant 0 : i32
        %dma_wait3A_181 = tpu.memref_slice %arg3[%add3A_161, %dma_wait3A_180] : memref<2560x128xi32, #tpu.memory_space<hbm>> -> memref<66x128xi32, #tpu.memory_space<hbm>>
        tpu.wait_dma2 semaphore(%run_scoped3A : memref<!tpu.dma_semaphore, #tpu.memory_space<semaphore_mem>>) src(%dma_wait3A_181 : memref<66x128xi32, #tpu.memory_space<hbm>>) dst(%dma_wait3A_179 : memref<66x128xi32, #tpu.memory_space<vmem>>)
        tpu.yield
      }) : () -> ()
    } else {
    }
    %eq3A_11 = arith.constant 0 : i32
    %eq3A_12 = arith.cmpi eq, %arg0, %eq3A_11 : i32
    %convert_element_type3A_13 = arith.extui %eq3A_12 : i1 to i32
    %cond3A_14 = arith.constant 0 : i32
    %cond3A_15 = arith.cmpi ne, %convert_element_type3A_13, %cond3A_14 : i32
    scf.if %cond3A_15 {
      %mul3A_158 = arith.constant 94 : i32
      %mul3A_159 = arith.muli %arg1, %mul3A_158 : i32
      "tpu.region"() ({
        %run_scoped3A = tpu.sem_alloc : memref<!tpu.dma_semaphore, #tpu.memory_space<semaphore_mem>>
        %dma_start3A_160 = arith.constant 0 : i32
        %dma_start3A_161 = tpu.memref_slice %arg4[%mul3A_159, %dma_start3A_160] : memref<2560x128xi32, #tpu.memory_space<hbm>> -> memref<94x128xi32, #tpu.memory_space<hbm>>
        %dma_start3A_162 = arith.constant 0 : i32
        %dma_start3A_163 = tpu.memref_slice %arg4[%mul3A_159, %dma_start3A_162] : memref<2560x128xi32, #tpu.memory_space<hbm>> -> memref<94x128xi32, #tpu.memory_space<hbm>>
        tpu.enqueue_dma source(%dma_start3A_163 : memref<94x128xi32, #tpu.memory_space<hbm>>) target(%arg8 : memref<94x128xi32, #tpu.memory_space<vmem>>) target_semaphore(%run_scoped3A : memref<!tpu.dma_semaphore, #tpu.memory_space<semaphore_mem>>)
        %dma_wait3A_164 = arith.constant 0 : i32
        %dma_wait3A_165 = tpu.memref_slice %arg4[%mul3A_159, %dma_wait3A_164] : memref<2560x128xi32, #tpu.memory_space<hbm>> -> memref<94x128xi32, #tpu.memory_space<hbm>>
        %dma_wait3A_166 = arith.constant 0 : i32
        %dma_wait3A_167 = tpu.memref_slice %arg4[%mul3A_159, %dma_wait3A_166] : memref<2560x128xi32, #tpu.memory_space<hbm>> -> memref<94x128xi32, #tpu.memory_space<hbm>>
        tpu.wait_dma2 semaphore(%run_scoped3A : memref<!tpu.dma_semaphore, #tpu.memory_space<semaphore_mem>>) src(%dma_wait3A_167 : memref<94x128xi32, #tpu.memory_space<hbm>>) dst(%arg8 : memref<94x128xi32, #tpu.memory_space<vmem>>)
        tpu.yield
      }) : () -> ()
    } else {
    }
    %eq3A_16 = arith.constant 1 : i32
    %eq3A_17 = arith.cmpi eq, %arg0, %eq3A_16 : i32
    %convert_element_type3A_18 = arith.extui %eq3A_17 : i1 to i32
    %cond3A_19 = arith.constant 0 : i32
    %cond3A_20 = arith.cmpi ne, %convert_element_type3A_18, %cond3A_19 : i32
    scf.if %cond3A_20 {
      %mul3A_158 = arith.constant 66 : i32
      %mul3A_159 = arith.muli %arg1, %mul3A_158 : i32
      %add3A_160 = arith.constant 1504 : i32
      %add3A_161 = arith.addi %add3A_160, %mul3A_159 : i32
      "tpu.region"() ({
        %run_scoped3A = tpu.sem_alloc : memref<!tpu.dma_semaphore, #tpu.memory_space<semaphore_mem>>
        %dma_start3A_162 = arith.constant 0 : i32
        %dma_start3A_163 = arith.constant 0 : i32
        %dma_start3A_164 = tpu.memref_slice %arg8[%dma_start3A_162, %dma_start3A_163] : memref<94x128xi32, #tpu.memory_space<vmem>> -> memref<66x128xi32, #tpu.memory_space<vmem>>
        %dma_start3A_165 = arith.constant 0 : i32
        %dma_start3A_166 = tpu.memref_slice %arg4[%add3A_161, %dma_start3A_165] : memref<2560x128xi32, #tpu.memory_space<hbm>> -> memref<66x128xi32, #tpu.memory_space<hbm>>
        %dma_start3A_167 = arith.constant 0 : i32
        %dma_start3A_168 = arith.constant 0 : i32
        %dma_start3A_169 = tpu.memref_slice %arg8[%dma_start3A_167, %dma_start3A_168] : memref<94x128xi32, #tpu.memory_space<vmem>> -> memref<66x128xi32, #tpu.memory_space<vmem>>
        %dma_start3A_170 = arith.constant 0 : i32
        %dma_start3A_171 = tpu.memref_slice %arg4[%add3A_161, %dma_start3A_170] : memref<2560x128xi32, #tpu.memory_space<hbm>> -> memref<66x128xi32, #tpu.memory_space<hbm>>
        tpu.enqueue_dma source(%dma_start3A_171 : memref<66x128xi32, #tpu.memory_space<hbm>>) target(%dma_start3A_169 : memref<66x128xi32, #tpu.memory_space<vmem>>) target_semaphore(%run_scoped3A : memref<!tpu.dma_semaphore, #tpu.memory_space<semaphore_mem>>)
        %dma_wait3A_172 = arith.constant 0 : i32
        %dma_wait3A_173 = arith.constant 0 : i32
        %dma_wait3A_174 = tpu.memref_slice %arg8[%dma_wait3A_172, %dma_wait3A_173] : memref<94x128xi32, #tpu.memory_space<vmem>> -> memref<66x128xi32, #tpu.memory_space<vmem>>
        %dma_wait3A_175 = arith.constant 0 : i32
        %dma_wait3A_176 = tpu.memref_slice %arg4[%add3A_161, %dma_wait3A_175] : memref<2560x128xi32, #tpu.memory_space<hbm>> -> memref<66x128xi32, #tpu.memory_space<hbm>>
        %dma_wait3A_177 = arith.constant 0 : i32
        %dma_wait3A_178 = arith.constant 0 : i32
        %dma_wait3A_179 = tpu.memref_slice %arg8[%dma_wait3A_177, %dma_wait3A_178] : memref<94x128xi32, #tpu.memory_space<vmem>> -> memref<66x128xi32, #tpu.memory_space<vmem>>
        %dma_wait3A_180 = arith.constant 0 : i32
        %dma_wait3A_181 = tpu.memref_slice %arg4[%add3A_161, %dma_wait3A_180] : memref<2560x128xi32, #tpu.memory_space<hbm>> -> memref<66x128xi32, #tpu.memory_space<hbm>>
        tpu.wait_dma2 semaphore(%run_scoped3A : memref<!tpu.dma_semaphore, #tpu.memory_space<semaphore_mem>>) src(%dma_wait3A_181 : memref<66x128xi32, #tpu.memory_space<hbm>>) dst(%dma_wait3A_179 : memref<66x128xi32, #tpu.memory_space<vmem>>)
        tpu.yield
      }) : () -> ()
    } else {
    }
    %mul3A = arith.constant 640 : i32
    %mul3A_21 = arith.muli %arg1, %mul3A : i32
    %mul3A_22 = arith.constant 640 : i32
    %mul3A_23 = arith.muli %arg1, %mul3A_22 : i32
    "tpu.region"() ({
      %run_scoped3A = tpu.sem_alloc : memref<!tpu.dma_semaphore, #tpu.memory_space<semaphore_mem>>
      %dma_start3A_158 = arith.constant 0 : i32
      %dma_start3A_159 = tpu.memref_slice %arg10[%mul3A_23, %dma_start3A_158] : memref<10240x16xf32, #tpu.memory_space<vmem_shared>> -> memref<640x16xf32, #tpu.memory_space<vmem_shared>>
      %dma_start3A_160 = arith.constant 0 : i32
      %dma_start3A_161 = tpu.memref_slice %arg5[%mul3A_21, %dma_start3A_160] : memref<10240x16xf32, #tpu.memory_space<hbm>> -> memref<640x16xf32, #tpu.memory_space<hbm>>
      tpu.enqueue_dma source(%dma_start3A_161 : memref<640x16xf32, #tpu.memory_space<hbm>>) target(%dma_start3A_159 : memref<640x16xf32, #tpu.memory_space<vmem_shared>>) target_semaphore(%run_scoped3A : memref<!tpu.dma_semaphore, #tpu.memory_space<semaphore_mem>>)
      %dma_wait3A_162 = arith.constant 0 : i32
      %dma_wait3A_163 = tpu.memref_slice %arg10[%mul3A_23, %dma_wait3A_162] : memref<10240x16xf32, #tpu.memory_space<vmem_shared>> -> memref<640x16xf32, #tpu.memory_space<vmem_shared>>
      %dma_wait3A_164 = arith.constant 0 : i32
      %dma_wait3A_165 = tpu.memref_slice %arg5[%mul3A_21, %dma_wait3A_164] : memref<10240x16xf32, #tpu.memory_space<hbm>> -> memref<640x16xf32, #tpu.memory_space<hbm>>
      tpu.wait_dma2 semaphore(%run_scoped3A : memref<!tpu.dma_semaphore, #tpu.memory_space<semaphore_mem>>) src(%dma_wait3A_165 : memref<640x16xf32, #tpu.memory_space<hbm>>) dst(%dma_wait3A_163 : memref<640x16xf32, #tpu.memory_space<vmem_shared>>)
      tpu.yield
    }) : () -> ()
    %barrier3A = arith.constant 0 : index
    tpu.barrier barrier_id(%barrier3A)
    %dma_start3A = arith.constant 0 : i32
    %dma_start3A_24 = arith.constant 0 : i32
    %dma_start3A_25 = arith.constant 0 : i32
    %dma_start3A_26 = arith.constant 0 : i32
    %dma_start3A_27 = arith.constant 0 : i32
    %dma_start3A_28 = tpu.memref_slice %arg9[%dma_start3A_24, %dma_start3A_26, %dma_start3A_27] : memref<4x128x16xf32, #tpu.memory_space<vmem>> -> memref<1x128x16xf32, #tpu.memory_space<vmem>>
    %dma_start3A_29 = tpu.memref_squeeze %dma_start3A_28 : memref<1x128x16xf32, #tpu.memory_space<vmem>> -> memref<128x16xf32, #tpu.memory_space<vmem>>
    %dma_start3A_30 = arith.constant 0 : i32
    %dma_start3A_31 = tpu.memref_slice %arg7[%dma_start3A, %dma_start3A_30] : memref<94x128xi32, #tpu.memory_space<vmem>> -> memref<1x128xi32, #tpu.memory_space<vmem>>
    %dma_start3A_32 = tpu.memref_squeeze %dma_start3A_31 : memref<1x128xi32, #tpu.memory_space<vmem>> -> memref<128xi32, #tpu.memory_space<vmem>>
    %dma_start3A_33 = arith.constant 0 : i32
    %dma_start3A_34 = arith.constant 0 : i32
    %dma_start3A_35 = tpu.memref_slice %arg2[%dma_start3A_33, %dma_start3A_34] : memref<10240x16xf32, #tpu.memory_space<hbm>> -> memref<10240x16xf32, #tpu.memory_space<hbm>>
    %dma_start3A_36 = tpu.memref_slice %arg11[%dma_start3A_25] : memref<4x!tpu.dma_semaphore, #tpu.memory_space<semaphore_mem>> -> memref<1x!tpu.dma_semaphore, #tpu.memory_space<semaphore_mem>>
    %dma_start3A_37 = tpu.memref_squeeze %dma_start3A_36 : memref<1x!tpu.dma_semaphore, #tpu.memory_space<semaphore_mem>> -> memref<!tpu.dma_semaphore, #tpu.memory_space<semaphore_mem>>
    tpu.enqueue_indirect_dma source(%dma_start3A_35 : memref<10240x16xf32, #tpu.memory_space<hbm>>) target(%dma_start3A_29 : memref<128x16xf32, #tpu.memory_space<vmem>>) offsets(%dma_start3A_32 : memref<128xi32, #tpu.memory_space<vmem>>) semaphore(%dma_start3A_37 : memref<!tpu.dma_semaphore, #tpu.memory_space<semaphore_mem>>)
    %dma_start3A_38 = arith.constant 1 : i32
    %dma_start3A_39 = arith.constant 1 : i32
    %dma_start3A_40 = arith.constant 1 : i32
    %dma_start3A_41 = arith.constant 0 : i32
    %dma_start3A_42 = arith.constant 0 : i32
    %dma_start3A_43 = tpu.memref_slice %arg9[%dma_start3A_39, %dma_start3A_41, %dma_start3A_42] : memref<4x128x16xf32, #tpu.memory_space<vmem>> -> memref<1x128x16xf32, #tpu.memory_space<vmem>>
    %dma_start3A_44 = tpu.memref_squeeze %dma_start3A_43 : memref<1x128x16xf32, #tpu.memory_space<vmem>> -> memref<128x16xf32, #tpu.memory_space<vmem>>
    %dma_start3A_45 = arith.constant 0 : i32
    %dma_start3A_46 = tpu.memref_slice %arg7[%dma_start3A_38, %dma_start3A_45] : memref<94x128xi32, #tpu.memory_space<vmem>> -> memref<1x128xi32, #tpu.memory_space<vmem>>
    %dma_start3A_47 = tpu.memref_squeeze %dma_start3A_46 : memref<1x128xi32, #tpu.memory_space<vmem>> -> memref<128xi32, #tpu.memory_space<vmem>>
    %dma_start3A_48 = arith.constant 0 : i32
    %dma_start3A_49 = arith.constant 0 : i32
    %dma_start3A_50 = tpu.memref_slice %arg2[%dma_start3A_48, %dma_start3A_49] : memref<10240x16xf32, #tpu.memory_space<hbm>> -> memref<10240x16xf32, #tpu.memory_space<hbm>>
    %dma_start3A_51 = tpu.memref_slice %arg11[%dma_start3A_40] : memref<4x!tpu.dma_semaphore, #tpu.memory_space<semaphore_mem>> -> memref<1x!tpu.dma_semaphore, #tpu.memory_space<semaphore_mem>>
    %dma_start3A_52 = tpu.memref_squeeze %dma_start3A_51 : memref<1x!tpu.dma_semaphore, #tpu.memory_space<semaphore_mem>> -> memref<!tpu.dma_semaphore, #tpu.memory_space<semaphore_mem>>
    tpu.enqueue_indirect_dma source(%dma_start3A_50 : memref<10240x16xf32, #tpu.memory_space<hbm>>) target(%dma_start3A_44 : memref<128x16xf32, #tpu.memory_space<vmem>>) offsets(%dma_start3A_47 : memref<128xi32, #tpu.memory_space<vmem>>) semaphore(%dma_start3A_52 : memref<!tpu.dma_semaphore, #tpu.memory_space<semaphore_mem>>)
    %dma_start3A_53 = arith.constant 2 : i32
    %dma_start3A_54 = arith.constant 2 : i32
    %dma_start3A_55 = arith.constant 2 : i32
    %dma_start3A_56 = arith.constant 0 : i32
    %dma_start3A_57 = arith.constant 0 : i32
    %dma_start3A_58 = tpu.memref_slice %arg9[%dma_start3A_54, %dma_start3A_56, %dma_start3A_57] : memref<4x128x16xf32, #tpu.memory_space<vmem>> -> memref<1x128x16xf32, #tpu.memory_space<vmem>>
    %dma_start3A_59 = tpu.memref_squeeze %dma_start3A_58 : memref<1x128x16xf32, #tpu.memory_space<vmem>> -> memref<128x16xf32, #tpu.memory_space<vmem>>
    %dma_start3A_60 = arith.constant 0 : i32
    %dma_start3A_61 = tpu.memref_slice %arg7[%dma_start3A_53, %dma_start3A_60] : memref<94x128xi32, #tpu.memory_space<vmem>> -> memref<1x128xi32, #tpu.memory_space<vmem>>
    %dma_start3A_62 = tpu.memref_squeeze %dma_start3A_61 : memref<1x128xi32, #tpu.memory_space<vmem>> -> memref<128xi32, #tpu.memory_space<vmem>>
    %dma_start3A_63 = arith.constant 0 : i32
    %dma_start3A_64 = arith.constant 0 : i32
    %dma_start3A_65 = tpu.memref_slice %arg2[%dma_start3A_63, %dma_start3A_64] : memref<10240x16xf32, #tpu.memory_space<hbm>> -> memref<10240x16xf32, #tpu.memory_space<hbm>>
    %dma_start3A_66 = tpu.memref_slice %arg11[%dma_start3A_55] : memref<4x!tpu.dma_semaphore, #tpu.memory_space<semaphore_mem>> -> memref<1x!tpu.dma_semaphore, #tpu.memory_space<semaphore_mem>>
    %dma_start3A_67 = tpu.memref_squeeze %dma_start3A_66 : memref<1x!tpu.dma_semaphore, #tpu.memory_space<semaphore_mem>> -> memref<!tpu.dma_semaphore, #tpu.memory_space<semaphore_mem>>
    tpu.enqueue_indirect_dma source(%dma_start3A_65 : memref<10240x16xf32, #tpu.memory_space<hbm>>) target(%dma_start3A_59 : memref<128x16xf32, #tpu.memory_space<vmem>>) offsets(%dma_start3A_62 : memref<128xi32, #tpu.memory_space<vmem>>) semaphore(%dma_start3A_67 : memref<!tpu.dma_semaphore, #tpu.memory_space<semaphore_mem>>)
    %while3A = arith.constant 0 : i32
    %while3A_68 = arith.constant 0 : i32
    %while3A_69 = arith.subi %select_n3A_2, %while3A_68 : i32
    %while3A_70 = arith.addi %while3A_68, %while3A_69 : i32
    %while3A_71 = arith.constant 1 : i32
    %while3A_72 = arith.divsi %while3A_69, %while3A_71 : i32
    %while3A_73 = arith.muli %while3A_72, %while3A_71 : i32
    %while3A_74 = arith.addi %while3A_68, %while3A_73 : i32
    %while3A_75 = arith.constant 1 : i32
    scf.for %while3A_158 = %while3A_68 to %while3A_74 step %while3A_75  : i32 {
      %rem3A_159 = arith.constant 4 : i32
      %rem3A_160 = arith.remsi %while3A_158, %rem3A_159 : i32
      %dma_wait3A_161 = arith.constant 0 : i32
      %dma_wait3A_162 = arith.constant 0 : i32
      %dma_wait3A_163 = tpu.memref_slice %arg9[%rem3A_160, %dma_wait3A_161, %dma_wait3A_162] : memref<4x128x16xf32, #tpu.memory_space<vmem>> -> memref<1x128x16xf32, #tpu.memory_space<vmem>>
      %dma_wait3A_164 = tpu.memref_squeeze %dma_wait3A_163 : memref<1x128x16xf32, #tpu.memory_space<vmem>> -> memref<128x16xf32, #tpu.memory_space<vmem>>
      %dma_wait3A_165 = arith.constant 0 : i32
      %dma_wait3A_166 = tpu.memref_slice %arg7[%while3A_158, %dma_wait3A_165] : memref<94x128xi32, #tpu.memory_space<vmem>> -> memref<1x128xi32, #tpu.memory_space<vmem>>
      %dma_wait3A_167 = tpu.memref_squeeze %dma_wait3A_166 : memref<1x128xi32, #tpu.memory_space<vmem>> -> memref<128xi32, #tpu.memory_space<vmem>>
      %dma_wait3A_168 = arith.constant 0 : i32
      %dma_wait3A_169 = arith.constant 0 : i32
      %dma_wait3A_170 = tpu.memref_slice %arg2[%dma_wait3A_168, %dma_wait3A_169] : memref<10240x16xf32, #tpu.memory_space<hbm>> -> memref<10240x16xf32, #tpu.memory_space<hbm>>
      %dma_wait3A_171 = tpu.memref_slice %arg11[%rem3A_160] : memref<4x!tpu.dma_semaphore, #tpu.memory_space<semaphore_mem>> -> memref<1x!tpu.dma_semaphore, #tpu.memory_space<semaphore_mem>>
      %dma_wait3A_172 = tpu.memref_squeeze %dma_wait3A_171 : memref<1x!tpu.dma_semaphore, #tpu.memory_space<semaphore_mem>> -> memref<!tpu.dma_semaphore, #tpu.memory_space<semaphore_mem>>
      tpu.wait_indirect_dma semaphore(%dma_wait3A_172 : memref<!tpu.dma_semaphore, #tpu.memory_space<semaphore_mem>>) src(%dma_wait3A_170 : memref<10240x16xf32, #tpu.memory_space<hbm>>) dst(%dma_wait3A_164 : memref<128x16xf32, #tpu.memory_space<vmem>>)
      %dma_start3A_173 = arith.constant 0 : i32
      %dma_start3A_174 = arith.constant 0 : i32
      %dma_start3A_175 = tpu.memref_slice %arg9[%rem3A_160, %dma_start3A_173, %dma_start3A_174] : memref<4x128x16xf32, #tpu.memory_space<vmem>> -> memref<1x128x16xf32, #tpu.memory_space<vmem>>
      %dma_start3A_176 = tpu.memref_squeeze %dma_start3A_175 : memref<1x128x16xf32, #tpu.memory_space<vmem>> -> memref<128x16xf32, #tpu.memory_space<vmem>>
      %dma_start3A_177 = arith.constant 0 : i32
      %dma_start3A_178 = tpu.memref_slice %arg8[%while3A_158, %dma_start3A_177] : memref<94x128xi32, #tpu.memory_space<vmem>> -> memref<1x128xi32, #tpu.memory_space<vmem>>
      %dma_start3A_179 = tpu.memref_squeeze %dma_start3A_178 : memref<1x128xi32, #tpu.memory_space<vmem>> -> memref<128xi32, #tpu.memory_space<vmem>>
      %dma_start3A_180 = arith.constant 0 : i32
      %dma_start3A_181 = arith.constant 0 : i32
      %dma_start3A_182 = tpu.memref_slice %arg10[%dma_start3A_180, %dma_start3A_181] : memref<10240x16xf32, #tpu.memory_space<vmem_shared>> -> memref<10240x16xf32, #tpu.memory_space<vmem_shared>>
      %dma_start3A_183 = tpu.memref_slice %arg12[%rem3A_160] : memref<4x!tpu.dma_semaphore, #tpu.memory_space<semaphore_mem>> -> memref<1x!tpu.dma_semaphore, #tpu.memory_space<semaphore_mem>>
      %dma_start3A_184 = tpu.memref_squeeze %dma_start3A_183 : memref<1x!tpu.dma_semaphore, #tpu.memory_space<semaphore_mem>> -> memref<!tpu.dma_semaphore, #tpu.memory_space<semaphore_mem>>
      tpu.enqueue_indirect_dma source(%dma_start3A_176 : memref<128x16xf32, #tpu.memory_space<vmem>>) target(%dma_start3A_182 : memref<10240x16xf32, #tpu.memory_space<vmem_shared>>) offsets(%dma_start3A_179 : memref<128xi32, #tpu.memory_space<vmem>>) semaphore(%dma_start3A_184 : memref<!tpu.dma_semaphore, #tpu.memory_space<semaphore_mem>>) {add = true}
      %add3A_185 = arith.constant 4 : i32
      %add3A_186 = arith.addi %while3A_158, %add3A_185 : i32
      %sub3A_187 = arith.constant 1 : i32
      %sub3A_188 = arith.subi %add3A_186, %sub3A_187 : i32
      %lt3A = arith.cmpi slt, %sub3A_188, %select_n3A_2 : i32
      %convert_element_type3A_189 = arith.extui %lt3A : i1 to i32
      %cond3A_190 = arith.constant 0 : i32
      %cond3A_191 = arith.cmpi ne, %convert_element_type3A_189, %cond3A_190 : i32
      scf.if %cond3A_191 {
        %add3A_192 = arith.constant 4 : i32
        %add3A_193 = arith.addi %while3A_158, %add3A_192 : i32
        %sub3A_194 = arith.constant 1 : i32
        %sub3A_195 = arith.subi %add3A_193, %sub3A_194 : i32
        %rem3A_196 = arith.constant 4 : i32
        %rem3A_197 = arith.remsi %sub3A_195, %rem3A_196 : i32
        %ge3A = arith.constant 1 : i32
        %ge3A_198 = arith.cmpi sge, %while3A_158, %ge3A : i32
        %convert_element_type3A_199 = arith.extui %ge3A_198 : i1 to i32
        %cond3A_200 = arith.constant 0 : i32
        %cond3A_201 = arith.cmpi ne, %convert_element_type3A_199, %cond3A_200 : i32
        scf.if %cond3A_201 {
          %sub3A_218 = arith.constant 1 : i32
          %sub3A_219 = arith.subi %while3A_158, %sub3A_218 : i32
          %dma_wait3A_220 = arith.constant 0 : i32
          %dma_wait3A_221 = arith.constant 0 : i32
          %dma_wait3A_222 = tpu.memref_slice %arg9[%rem3A_197, %dma_wait3A_220, %dma_wait3A_221] : memref<4x128x16xf32, #tpu.memory_space<vmem>> -> memref<1x128x16xf32, #tpu.memory_space<vmem>>
          %dma_wait3A_223 = tpu.memref_squeeze %dma_wait3A_222 : memref<1x128x16xf32, #tpu.memory_space<vmem>> -> memref<128x16xf32, #tpu.memory_space<vmem>>
          %dma_wait3A_224 = arith.constant 0 : i32
          %dma_wait3A_225 = tpu.memref_slice %arg8[%sub3A_219, %dma_wait3A_224] : memref<94x128xi32, #tpu.memory_space<vmem>> -> memref<1x128xi32, #tpu.memory_space<vmem>>
          %dma_wait3A_226 = tpu.memref_squeeze %dma_wait3A_225 : memref<1x128xi32, #tpu.memory_space<vmem>> -> memref<128xi32, #tpu.memory_space<vmem>>
          %dma_wait3A_227 = arith.constant 0 : i32
          %dma_wait3A_228 = arith.constant 0 : i32
          %dma_wait3A_229 = tpu.memref_slice %arg10[%dma_wait3A_227, %dma_wait3A_228] : memref<10240x16xf32, #tpu.memory_space<vmem_shared>> -> memref<10240x16xf32, #tpu.memory_space<vmem_shared>>
          %dma_wait3A_230 = tpu.memref_slice %arg12[%rem3A_197] : memref<4x!tpu.dma_semaphore, #tpu.memory_space<semaphore_mem>> -> memref<1x!tpu.dma_semaphore, #tpu.memory_space<semaphore_mem>>
          %dma_wait3A_231 = tpu.memref_squeeze %dma_wait3A_230 : memref<1x!tpu.dma_semaphore, #tpu.memory_space<semaphore_mem>> -> memref<!tpu.dma_semaphore, #tpu.memory_space<semaphore_mem>>
          tpu.wait_indirect_dma semaphore(%dma_wait3A_231 : memref<!tpu.dma_semaphore, #tpu.memory_space<semaphore_mem>>) src(%dma_wait3A_223 : memref<128x16xf32, #tpu.memory_space<vmem>>) dst(%dma_wait3A_229 : memref<10240x16xf32, #tpu.memory_space<vmem_shared>>)
        } else {
        }
        %add3A_202 = arith.constant 4 : i32
        %add3A_203 = arith.addi %while3A_158, %add3A_202 : i32
        %sub3A_204 = arith.constant 1 : i32
        %sub3A_205 = arith.subi %add3A_203, %sub3A_204 : i32
        %dma_start3A_206 = arith.constant 0 : i32
        %dma_start3A_207 = arith.constant 0 : i32
        %dma_start3A_208 = tpu.memref_slice %arg9[%rem3A_197, %dma_start3A_206, %dma_start3A_207] : memref<4x128x16xf32, #tpu.memory_space<vmem>> -> memref<1x128x16xf32, #tpu.memory_space<vmem>>
        %dma_start3A_209 = tpu.memref_squeeze %dma_start3A_208 : memref<1x128x16xf32, #tpu.memory_space<vmem>> -> memref<128x16xf32, #tpu.memory_space<vmem>>
        %dma_start3A_210 = arith.constant 0 : i32
        %dma_start3A_211 = tpu.memref_slice %arg7[%sub3A_205, %dma_start3A_210] : memref<94x128xi32, #tpu.memory_space<vmem>> -> memref<1x128xi32, #tpu.memory_space<vmem>>
        %dma_start3A_212 = tpu.memref_squeeze %dma_start3A_211 : memref<1x128xi32, #tpu.memory_space<vmem>> -> memref<128xi32, #tpu.memory_space<vmem>>
        %dma_start3A_213 = arith.constant 0 : i32
        %dma_start3A_214 = arith.constant 0 : i32
        %dma_start3A_215 = tpu.memref_slice %arg2[%dma_start3A_213, %dma_start3A_214] : memref<10240x16xf32, #tpu.memory_space<hbm>> -> memref<10240x16xf32, #tpu.memory_space<hbm>>
        %dma_start3A_216 = tpu.memref_slice %arg11[%rem3A_197] : memref<4x!tpu.dma_semaphore, #tpu.memory_space<semaphore_mem>> -> memref<1x!tpu.dma_semaphore, #tpu.memory_space<semaphore_mem>>
        %dma_start3A_217 = tpu.memref_squeeze %dma_start3A_216 : memref<1x!tpu.dma_semaphore, #tpu.memory_space<semaphore_mem>> -> memref<!tpu.dma_semaphore, #tpu.memory_space<semaphore_mem>>
        tpu.enqueue_indirect_dma source(%dma_start3A_215 : memref<10240x16xf32, #tpu.memory_space<hbm>>) target(%dma_start3A_209 : memref<128x16xf32, #tpu.memory_space<vmem>>) offsets(%dma_start3A_212 : memref<128xi32, #tpu.memory_space<vmem>>) semaphore(%dma_start3A_217 : memref<!tpu.dma_semaphore, #tpu.memory_space<semaphore_mem>>)
      } else {
      }
    }
    %while3A_76 = arith.constant 1 : i32
    scf.for %while3A_158 = %while3A_74 to %while3A_70 step %while3A_76  : i32 {
      %rem3A_159 = arith.constant 4 : i32
      %rem3A_160 = arith.remsi %while3A_158, %rem3A_159 : i32
      %dma_wait3A_161 = arith.constant 0 : i32
      %dma_wait3A_162 = arith.constant 0 : i32
      %dma_wait3A_163 = tpu.memref_slice %arg9[%rem3A_160, %dma_wait3A_161, %dma_wait3A_162] : memref<4x128x16xf32, #tpu.memory_space<vmem>> -> memref<1x128x16xf32, #tpu.memory_space<vmem>>
      %dma_wait3A_164 = tpu.memref_squeeze %dma_wait3A_163 : memref<1x128x16xf32, #tpu.memory_space<vmem>> -> memref<128x16xf32, #tpu.memory_space<vmem>>
      %dma_wait3A_165 = arith.constant 0 : i32
      %dma_wait3A_166 = tpu.memref_slice %arg7[%while3A_158, %dma_wait3A_165] : memref<94x128xi32, #tpu.memory_space<vmem>> -> memref<1x128xi32, #tpu.memory_space<vmem>>
      %dma_wait3A_167 = tpu.memref_squeeze %dma_wait3A_166 : memref<1x128xi32, #tpu.memory_space<vmem>> -> memref<128xi32, #tpu.memory_space<vmem>>
      %dma_wait3A_168 = arith.constant 0 : i32
      %dma_wait3A_169 = arith.constant 0 : i32
      %dma_wait3A_170 = tpu.memref_slice %arg2[%dma_wait3A_168, %dma_wait3A_169] : memref<10240x16xf32, #tpu.memory_space<hbm>> -> memref<10240x16xf32, #tpu.memory_space<hbm>>
      %dma_wait3A_171 = tpu.memref_slice %arg11[%rem3A_160] : memref<4x!tpu.dma_semaphore, #tpu.memory_space<semaphore_mem>> -> memref<1x!tpu.dma_semaphore, #tpu.memory_space<semaphore_mem>>
      %dma_wait3A_172 = tpu.memref_squeeze %dma_wait3A_171 : memref<1x!tpu.dma_semaphore, #tpu.memory_space<semaphore_mem>> -> memref<!tpu.dma_semaphore, #tpu.memory_space<semaphore_mem>>
      tpu.wait_indirect_dma semaphore(%dma_wait3A_172 : memref<!tpu.dma_semaphore, #tpu.memory_space<semaphore_mem>>) src(%dma_wait3A_170 : memref<10240x16xf32, #tpu.memory_space<hbm>>) dst(%dma_wait3A_164 : memref<128x16xf32, #tpu.memory_space<vmem>>)
      %dma_start3A_173 = arith.constant 0 : i32
      %dma_start3A_174 = arith.constant 0 : i32
      %dma_start3A_175 = tpu.memref_slice %arg9[%rem3A_160, %dma_start3A_173, %dma_start3A_174] : memref<4x128x16xf32, #tpu.memory_space<vmem>> -> memref<1x128x16xf32, #tpu.memory_space<vmem>>
      %dma_start3A_176 = tpu.memref_squeeze %dma_start3A_175 : memref<1x128x16xf32, #tpu.memory_space<vmem>> -> memref<128x16xf32, #tpu.memory_space<vmem>>
      %dma_start3A_177 = arith.constant 0 : i32
      %dma_start3A_178 = tpu.memref_slice %arg8[%while3A_158, %dma_start3A_177] : memref<94x128xi32, #tpu.memory_space<vmem>> -> memref<1x128xi32, #tpu.memory_space<vmem>>
      %dma_start3A_179 = tpu.memref_squeeze %dma_start3A_178 : memref<1x128xi32, #tpu.memory_space<vmem>> -> memref<128xi32, #tpu.memory_space<vmem>>
      %dma_start3A_180 = arith.constant 0 : i32
      %dma_start3A_181 = arith.constant 0 : i32
      %dma_start3A_182 = tpu.memref_slice %arg10[%dma_start3A_180, %dma_start3A_181] : memref<10240x16xf32, #tpu.memory_space<vmem_shared>> -> memref<10240x16xf32, #tpu.memory_space<vmem_shared>>
      %dma_start3A_183 = tpu.memref_slice %arg12[%rem3A_160] : memref<4x!tpu.dma_semaphore, #tpu.memory_space<semaphore_mem>> -> memref<1x!tpu.dma_semaphore, #tpu.memory_space<semaphore_mem>>
      %dma_start3A_184 = tpu.memref_squeeze %dma_start3A_183 : memref<1x!tpu.dma_semaphore, #tpu.memory_space<semaphore_mem>> -> memref<!tpu.dma_semaphore, #tpu.memory_space<semaphore_mem>>
      tpu.enqueue_indirect_dma source(%dma_start3A_176 : memref<128x16xf32, #tpu.memory_space<vmem>>) target(%dma_start3A_182 : memref<10240x16xf32, #tpu.memory_space<vmem_shared>>) offsets(%dma_start3A_179 : memref<128xi32, #tpu.memory_space<vmem>>) semaphore(%dma_start3A_184 : memref<!tpu.dma_semaphore, #tpu.memory_space<semaphore_mem>>) {add = true}
      %add3A_185 = arith.constant 4 : i32
      %add3A_186 = arith.addi %while3A_158, %add3A_185 : i32
      %sub3A_187 = arith.constant 1 : i32
      %sub3A_188 = arith.subi %add3A_186, %sub3A_187 : i32
      %lt3A = arith.cmpi slt, %sub3A_188, %select_n3A_2 : i32
      %convert_element_type3A_189 = arith.extui %lt3A : i1 to i32
      %cond3A_190 = arith.constant 0 : i32
      %cond3A_191 = arith.cmpi ne, %convert_element_type3A_189, %cond3A_190 : i32
      scf.if %cond3A_191 {
        %add3A_192 = arith.constant 4 : i32
        %add3A_193 = arith.addi %while3A_158, %add3A_192 : i32
        %sub3A_194 = arith.constant 1 : i32
        %sub3A_195 = arith.subi %add3A_193, %sub3A_194 : i32
        %rem3A_196 = arith.constant 4 : i32
        %rem3A_197 = arith.remsi %sub3A_195, %rem3A_196 : i32
        %ge3A = arith.constant 1 : i32
        %ge3A_198 = arith.cmpi sge, %while3A_158, %ge3A : i32
        %convert_element_type3A_199 = arith.extui %ge3A_198 : i1 to i32
        %cond3A_200 = arith.constant 0 : i32
        %cond3A_201 = arith.cmpi ne, %convert_element_type3A_199, %cond3A_200 : i32
        scf.if %cond3A_201 {
          %sub3A_218 = arith.constant 1 : i32
          %sub3A_219 = arith.subi %while3A_158, %sub3A_218 : i32
          %dma_wait3A_220 = arith.constant 0 : i32
          %dma_wait3A_221 = arith.constant 0 : i32
          %dma_wait3A_222 = tpu.memref_slice %arg9[%rem3A_197, %dma_wait3A_220, %dma_wait3A_221] : memref<4x128x16xf32, #tpu.memory_space<vmem>> -> memref<1x128x16xf32, #tpu.memory_space<vmem>>
          %dma_wait3A_223 = tpu.memref_squeeze %dma_wait3A_222 : memref<1x128x16xf32, #tpu.memory_space<vmem>> -> memref<128x16xf32, #tpu.memory_space<vmem>>
          %dma_wait3A_224 = arith.constant 0 : i32
          %dma_wait3A_225 = tpu.memref_slice %arg8[%sub3A_219, %dma_wait3A_224] : memref<94x128xi32, #tpu.memory_space<vmem>> -> memref<1x128xi32, #tpu.memory_space<vmem>>
          %dma_wait3A_226 = tpu.memref_squeeze %dma_wait3A_225 : memref<1x128xi32, #tpu.memory_space<vmem>> -> memref<128xi32, #tpu.memory_space<vmem>>
          %dma_wait3A_227 = arith.constant 0 : i32
          %dma_wait3A_228 = arith.constant 0 : i32
          %dma_wait3A_229 = tpu.memref_slice %arg10[%dma_wait3A_227, %dma_wait3A_228] : memref<10240x16xf32, #tpu.memory_space<vmem_shared>> -> memref<10240x16xf32, #tpu.memory_space<vmem_shared>>
          %dma_wait3A_230 = tpu.memref_slice %arg12[%rem3A_197] : memref<4x!tpu.dma_semaphore, #tpu.memory_space<semaphore_mem>> -> memref<1x!tpu.dma_semaphore, #tpu.memory_space<semaphore_mem>>
          %dma_wait3A_231 = tpu.memref_squeeze %dma_wait3A_230 : memref<1x!tpu.dma_semaphore, #tpu.memory_space<semaphore_mem>> -> memref<!tpu.dma_semaphore, #tpu.memory_space<semaphore_mem>>
          tpu.wait_indirect_dma semaphore(%dma_wait3A_231 : memref<!tpu.dma_semaphore, #tpu.memory_space<semaphore_mem>>) src(%dma_wait3A_223 : memref<128x16xf32, #tpu.memory_space<vmem>>) dst(%dma_wait3A_229 : memref<10240x16xf32, #tpu.memory_space<vmem_shared>>)
        } else {
        }
        %add3A_202 = arith.constant 4 : i32
        %add3A_203 = arith.addi %while3A_158, %add3A_202 : i32
        %sub3A_204 = arith.constant 1 : i32
        %sub3A_205 = arith.subi %add3A_203, %sub3A_204 : i32
        %dma_start3A_206 = arith.constant 0 : i32
        %dma_start3A_207 = arith.constant 0 : i32
        %dma_start3A_208 = tpu.memref_slice %arg9[%rem3A_197, %dma_start3A_206, %dma_start3A_207] : memref<4x128x16xf32, #tpu.memory_space<vmem>> -> memref<1x128x16xf32, #tpu.memory_space<vmem>>
        %dma_start3A_209 = tpu.memref_squeeze %dma_start3A_208 : memref<1x128x16xf32, #tpu.memory_space<vmem>> -> memref<128x16xf32, #tpu.memory_space<vmem>>
        %dma_start3A_210 = arith.constant 0 : i32
        %dma_start3A_211 = tpu.memref_slice %arg7[%sub3A_205, %dma_start3A_210] : memref<94x128xi32, #tpu.memory_space<vmem>> -> memref<1x128xi32, #tpu.memory_space<vmem>>
        %dma_start3A_212 = tpu.memref_squeeze %dma_start3A_211 : memref<1x128xi32, #tpu.memory_space<vmem>> -> memref<128xi32, #tpu.memory_space<vmem>>
        %dma_start3A_213 = arith.constant 0 : i32
        %dma_start3A_214 = arith.constant 0 : i32
        %dma_start3A_215 = tpu.memref_slice %arg2[%dma_start3A_213, %dma_start3A_214] : memref<10240x16xf32, #tpu.memory_space<hbm>> -> memref<10240x16xf32, #tpu.memory_space<hbm>>
        %dma_start3A_216 = tpu.memref_slice %arg11[%rem3A_197] : memref<4x!tpu.dma_semaphore, #tpu.memory_space<semaphore_mem>> -> memref<1x!tpu.dma_semaphore, #tpu.memory_space<semaphore_mem>>
        %dma_start3A_217 = tpu.memref_squeeze %dma_start3A_216 : memref<1x!tpu.dma_semaphore, #tpu.memory_space<semaphore_mem>> -> memref<!tpu.dma_semaphore, #tpu.memory_space<semaphore_mem>>
        tpu.enqueue_indirect_dma source(%dma_start3A_215 : memref<10240x16xf32, #tpu.memory_space<hbm>>) target(%dma_start3A_209 : memref<128x16xf32, #tpu.memory_space<vmem>>) offsets(%dma_start3A_212 : memref<128xi32, #tpu.memory_space<vmem>>) semaphore(%dma_start3A_217 : memref<!tpu.dma_semaphore, #tpu.memory_space<semaphore_mem>>)
      } else {
      }
    }
    %sub3A = arith.constant 4 : i32
    %sub3A_77 = arith.subi %select_n3A_2, %sub3A : i32
    %add3A = arith.constant 0 : i32
    %add3A_78 = arith.addi %sub3A_77, %add3A : i32
    %rem3A = arith.constant 4 : i32
    %rem3A_79 = arith.remsi %add3A_78, %rem3A : i32
    %rem3A_80 = arith.constant 4 : i32
    %rem3A_81 = arith.remsi %add3A_78, %rem3A_80 : i32
    %dma_wait3A = arith.constant 0 : i32
    %dma_wait3A_82 = arith.constant 0 : i32
    %dma_wait3A_83 = tpu.memref_slice %arg9[%rem3A_79, %dma_wait3A, %dma_wait3A_82] : memref<4x128x16xf32, #tpu.memory_space<vmem>> -> memref<1x128x16xf32, #tpu.memory_space<vmem>>
    %dma_wait3A_84 = tpu.memref_squeeze %dma_wait3A_83 : memref<1x128x16xf32, #tpu.memory_space<vmem>> -> memref<128x16xf32, #tpu.memory_space<vmem>>
    %dma_wait3A_85 = arith.constant 0 : i32
    %dma_wait3A_86 = tpu.memref_slice %arg8[%add3A_78, %dma_wait3A_85] : memref<94x128xi32, #tpu.memory_space<vmem>> -> memref<1x128xi32, #tpu.memory_space<vmem>>
    %dma_wait3A_87 = tpu.memref_squeeze %dma_wait3A_86 : memref<1x128xi32, #tpu.memory_space<vmem>> -> memref<128xi32, #tpu.memory_space<vmem>>
    %dma_wait3A_88 = arith.constant 0 : i32
    %dma_wait3A_89 = arith.constant 0 : i32
    %dma_wait3A_90 = tpu.memref_slice %arg10[%dma_wait3A_88, %dma_wait3A_89] : memref<10240x16xf32, #tpu.memory_space<vmem_shared>> -> memref<10240x16xf32, #tpu.memory_space<vmem_shared>>
    %dma_wait3A_91 = tpu.memref_slice %arg12[%rem3A_81] : memref<4x!tpu.dma_semaphore, #tpu.memory_space<semaphore_mem>> -> memref<1x!tpu.dma_semaphore, #tpu.memory_space<semaphore_mem>>
    %dma_wait3A_92 = tpu.memref_squeeze %dma_wait3A_91 : memref<1x!tpu.dma_semaphore, #tpu.memory_space<semaphore_mem>> -> memref<!tpu.dma_semaphore, #tpu.memory_space<semaphore_mem>>
    tpu.wait_indirect_dma semaphore(%dma_wait3A_92 : memref<!tpu.dma_semaphore, #tpu.memory_space<semaphore_mem>>) src(%dma_wait3A_84 : memref<128x16xf32, #tpu.memory_space<vmem>>) dst(%dma_wait3A_90 : memref<10240x16xf32, #tpu.memory_space<vmem_shared>>)
    %sub3A_93 = arith.constant 4 : i32
    %sub3A_94 = arith.subi %select_n3A_2, %sub3A_93 : i32
    %add3A_95 = arith.constant 1 : i32
    %add3A_96 = arith.addi %sub3A_94, %add3A_95 : i32
    %rem3A_97 = arith.constant 4 : i32
    %rem3A_98 = arith.remsi %add3A_96, %rem3A_97 : i32
    %rem3A_99 = arith.constant 4 : i32
    %rem3A_100 = arith.remsi %add3A_96, %rem3A_99 : i32
    %dma_wait3A_101 = arith.constant 0 : i32
    %dma_wait3A_102 = arith.constant 0 : i32
    %dma_wait3A_103 = tpu.memref_slice %arg9[%rem3A_98, %dma_wait3A_101, %dma_wait3A_102] : memref<4x128x16xf32, #tpu.memory_space<vmem>> -> memref<1x128x16xf32, #tpu.memory_space<vmem>>
    %dma_wait3A_104 = tpu.memref_squeeze %dma_wait3A_103 : memref<1x128x16xf32, #tpu.memory_space<vmem>> -> memref<128x16xf32, #tpu.memory_space<vmem>>
    %dma_wait3A_105 = arith.constant 0 : i32
    %dma_wait3A_106 = tpu.memref_slice %arg8[%add3A_96, %dma_wait3A_105] : memref<94x128xi32, #tpu.memory_space<vmem>> -> memref<1x128xi32, #tpu.memory_space<vmem>>
    %dma_wait3A_107 = tpu.memref_squeeze %dma_wait3A_106 : memref<1x128xi32, #tpu.memory_space<vmem>> -> memref<128xi32, #tpu.memory_space<vmem>>
    %dma_wait3A_108 = arith.constant 0 : i32
    %dma_wait3A_109 = arith.constant 0 : i32
    %dma_wait3A_110 = tpu.memref_slice %arg10[%dma_wait3A_108, %dma_wait3A_109] : memref<10240x16xf32, #tpu.memory_space<vmem_shared>> -> memref<10240x16xf32, #tpu.memory_space<vmem_shared>>
    %dma_wait3A_111 = tpu.memref_slice %arg12[%rem3A_100] : memref<4x!tpu.dma_semaphore, #tpu.memory_space<semaphore_mem>> -> memref<1x!tpu.dma_semaphore, #tpu.memory_space<semaphore_mem>>
    %dma_wait3A_112 = tpu.memref_squeeze %dma_wait3A_111 : memref<1x!tpu.dma_semaphore, #tpu.memory_space<semaphore_mem>> -> memref<!tpu.dma_semaphore, #tpu.memory_space<semaphore_mem>>
    tpu.wait_indirect_dma semaphore(%dma_wait3A_112 : memref<!tpu.dma_semaphore, #tpu.memory_space<semaphore_mem>>) src(%dma_wait3A_104 : memref<128x16xf32, #tpu.memory_space<vmem>>) dst(%dma_wait3A_110 : memref<10240x16xf32, #tpu.memory_space<vmem_shared>>)
    %sub3A_113 = arith.constant 4 : i32
    %sub3A_114 = arith.subi %select_n3A_2, %sub3A_113 : i32
    %add3A_115 = arith.constant 2 : i32
    %add3A_116 = arith.addi %sub3A_114, %add3A_115 : i32
    %rem3A_117 = arith.constant 4 : i32
    %rem3A_118 = arith.remsi %add3A_116, %rem3A_117 : i32
    %rem3A_119 = arith.constant 4 : i32
    %rem3A_120 = arith.remsi %add3A_116, %rem3A_119 : i32
    %dma_wait3A_121 = arith.constant 0 : i32
    %dma_wait3A_122 = arith.constant 0 : i32
    %dma_wait3A_123 = tpu.memref_slice %arg9[%rem3A_118, %dma_wait3A_121, %dma_wait3A_122] : memref<4x128x16xf32, #tpu.memory_space<vmem>> -> memref<1x128x16xf32, #tpu.memory_space<vmem>>
    %dma_wait3A_124 = tpu.memref_squeeze %dma_wait3A_123 : memref<1x128x16xf32, #tpu.memory_space<vmem>> -> memref<128x16xf32, #tpu.memory_space<vmem>>
    %dma_wait3A_125 = arith.constant 0 : i32
    %dma_wait3A_126 = tpu.memref_slice %arg8[%add3A_116, %dma_wait3A_125] : memref<94x128xi32, #tpu.memory_space<vmem>> -> memref<1x128xi32, #tpu.memory_space<vmem>>
    %dma_wait3A_127 = tpu.memref_squeeze %dma_wait3A_126 : memref<1x128xi32, #tpu.memory_space<vmem>> -> memref<128xi32, #tpu.memory_space<vmem>>
    %dma_wait3A_128 = arith.constant 0 : i32
    %dma_wait3A_129 = arith.constant 0 : i32
    %dma_wait3A_130 = tpu.memref_slice %arg10[%dma_wait3A_128, %dma_wait3A_129] : memref<10240x16xf32, #tpu.memory_space<vmem_shared>> -> memref<10240x16xf32, #tpu.memory_space<vmem_shared>>
    %dma_wait3A_131 = tpu.memref_slice %arg12[%rem3A_120] : memref<4x!tpu.dma_semaphore, #tpu.memory_space<semaphore_mem>> -> memref<1x!tpu.dma_semaphore, #tpu.memory_space<semaphore_mem>>
    %dma_wait3A_132 = tpu.memref_squeeze %dma_wait3A_131 : memref<1x!tpu.dma_semaphore, #tpu.memory_space<semaphore_mem>> -> memref<!tpu.dma_semaphore, #tpu.memory_space<semaphore_mem>>
    tpu.wait_indirect_dma semaphore(%dma_wait3A_132 : memref<!tpu.dma_semaphore, #tpu.memory_space<semaphore_mem>>) src(%dma_wait3A_124 : memref<128x16xf32, #tpu.memory_space<vmem>>) dst(%dma_wait3A_130 : memref<10240x16xf32, #tpu.memory_space<vmem_shared>>)
    %sub3A_133 = arith.constant 4 : i32
    %sub3A_134 = arith.subi %select_n3A_2, %sub3A_133 : i32
    %add3A_135 = arith.constant 3 : i32
    %add3A_136 = arith.addi %sub3A_134, %add3A_135 : i32
    %rem3A_137 = arith.constant 4 : i32
    %rem3A_138 = arith.remsi %add3A_136, %rem3A_137 : i32
    %rem3A_139 = arith.constant 4 : i32
    %rem3A_140 = arith.remsi %add3A_136, %rem3A_139 : i32
    %dma_wait3A_141 = arith.constant 0 : i32
    %dma_wait3A_142 = arith.constant 0 : i32
    %dma_wait3A_143 = tpu.memref_slice %arg9[%rem3A_138, %dma_wait3A_141, %dma_wait3A_142] : memref<4x128x16xf32, #tpu.memory_space<vmem>> -> memref<1x128x16xf32, #tpu.memory_space<vmem>>
    %dma_wait3A_144 = tpu.memref_squeeze %dma_wait3A_143 : memref<1x128x16xf32, #tpu.memory_space<vmem>> -> memref<128x16xf32, #tpu.memory_space<vmem>>
    %dma_wait3A_145 = arith.constant 0 : i32
    %dma_wait3A_146 = tpu.memref_slice %arg8[%add3A_136, %dma_wait3A_145] : memref<94x128xi32, #tpu.memory_space<vmem>> -> memref<1x128xi32, #tpu.memory_space<vmem>>
    %dma_wait3A_147 = tpu.memref_squeeze %dma_wait3A_146 : memref<1x128xi32, #tpu.memory_space<vmem>> -> memref<128xi32, #tpu.memory_space<vmem>>
    %dma_wait3A_148 = arith.constant 0 : i32
    %dma_wait3A_149 = arith.constant 0 : i32
    %dma_wait3A_150 = tpu.memref_slice %arg10[%dma_wait3A_148, %dma_wait3A_149] : memref<10240x16xf32, #tpu.memory_space<vmem_shared>> -> memref<10240x16xf32, #tpu.memory_space<vmem_shared>>
    %dma_wait3A_151 = tpu.memref_slice %arg12[%rem3A_140] : memref<4x!tpu.dma_semaphore, #tpu.memory_space<semaphore_mem>> -> memref<1x!tpu.dma_semaphore, #tpu.memory_space<semaphore_mem>>
    %dma_wait3A_152 = tpu.memref_squeeze %dma_wait3A_151 : memref<1x!tpu.dma_semaphore, #tpu.memory_space<semaphore_mem>> -> memref<!tpu.dma_semaphore, #tpu.memory_space<semaphore_mem>>
    tpu.wait_indirect_dma semaphore(%dma_wait3A_152 : memref<!tpu.dma_semaphore, #tpu.memory_space<semaphore_mem>>) src(%dma_wait3A_144 : memref<128x16xf32, #tpu.memory_space<vmem>>) dst(%dma_wait3A_150 : memref<10240x16xf32, #tpu.memory_space<vmem_shared>>)
    %barrier3A_153 = arith.constant 0 : index
    tpu.barrier barrier_id(%barrier3A_153)
    %mul3A_154 = arith.constant 640 : i32
    %mul3A_155 = arith.muli %arg1, %mul3A_154 : i32
    %mul3A_156 = arith.constant 640 : i32
    %mul3A_157 = arith.muli %arg1, %mul3A_156 : i32
    "tpu.region"() ({
      %run_scoped3A = tpu.sem_alloc : memref<!tpu.dma_semaphore, #tpu.memory_space<semaphore_mem>>
      %dma_start3A_158 = arith.constant 0 : i32
      %dma_start3A_159 = tpu.memref_slice %arg6[%arg0, %mul3A_157, %dma_start3A_158] : memref<2x10240x16xf32, #tpu.memory_space<hbm>> -> memref<1x640x16xf32, #tpu.memory_space<hbm>>
      %dma_start3A_160 = tpu.memref_squeeze %dma_start3A_159 : memref<1x640x16xf32, #tpu.memory_space<hbm>> -> memref<640x16xf32, #tpu.memory_space<hbm>>
      %dma_start3A_161 = arith.constant 0 : i32
      %dma_start3A_162 = tpu.memref_slice %arg10[%mul3A_155, %dma_start3A_161] : memref<10240x16xf32, #tpu.memory_space<vmem_shared>> -> memref<640x16xf32, #tpu.memory_space<vmem_shared>>
      tpu.enqueue_dma source(%dma_start3A_162 : memref<640x16xf32, #tpu.memory_space<vmem_shared>>) target(%dma_start3A_160 : memref<640x16xf32, #tpu.memory_space<hbm>>) target_semaphore(%run_scoped3A : memref<!tpu.dma_semaphore, #tpu.memory_space<semaphore_mem>>)
      %dma_wait3A_163 = arith.constant 0 : i32
      %dma_wait3A_164 = tpu.memref_slice %arg6[%arg0, %mul3A_157, %dma_wait3A_163] : memref<2x10240x16xf32, #tpu.memory_space<hbm>> -> memref<1x640x16xf32, #tpu.memory_space<hbm>>
      %dma_wait3A_165 = tpu.memref_squeeze %dma_wait3A_164 : memref<1x640x16xf32, #tpu.memory_space<hbm>> -> memref<640x16xf32, #tpu.memory_space<hbm>>
      %dma_wait3A_166 = arith.constant 0 : i32
      %dma_wait3A_167 = tpu.memref_slice %arg10[%mul3A_155, %dma_wait3A_166] : memref<10240x16xf32, #tpu.memory_space<vmem_shared>> -> memref<640x16xf32, #tpu.memory_space<vmem_shared>>
      tpu.wait_dma2 semaphore(%run_scoped3A : memref<!tpu.dma_semaphore, #tpu.memory_space<semaphore_mem>>) src(%dma_wait3A_167 : memref<640x16xf32, #tpu.memory_space<vmem_shared>>) dst(%dma_wait3A_165 : memref<640x16xf32, #tpu.memory_space<hbm>>)
      tpu.yield
    }) : () -> ()
    return
  }
}

module attributes {stable_mosaic.version = 14 : i64} {
  func.func @_tc1_body(%arg0: i32, %arg1: memref<1024x128xf32, #tpu.memory_space<vmem>>, %arg2: memref<128x16xf32, #tpu.memory_space<vmem>>, %arg3: memref<2x1024x16xf32, #tpu.memory_space<vmem>>, %arg4: memref<1024x16xf32, #tpu.memory_space<vmem>>, %arg5: memref<1024x16xf32, #tpu.memory_space<vmem>>, %arg6: memref<1024x16xf32, #tpu.memory_space<vmem>>) attributes {dimension_semantics = [#tpu.dimension_semantics<arbitrary>], iteration_bounds = array<i64: 10>, scalar_prefetch = 0 : i64, scratch_operands = 0 : i64, tpu.core_type = #tpu.core_type<tc>, window_params = [{transform_indices = @transform_0, window_bounds = array<i64: 1024, 128>}, {pipeline_mode = #tpu.pipeline_mode<synchronous>, transform_indices = @transform_1, window_bounds = array<i64: 128, 16>}, {transform_indices = @transform_2, window_bounds = array<i64: 2, 1024, 16>}, {transform_indices = @transform_3, window_bounds = array<i64: 1024, 16>}, {transform_indices = @transform_4, window_bounds = array<i64: 1024, 16>}, {transform_indices = @transform_5, window_bounds = array<i64: 1024, 16>}]} {
    %get3A = arith.constant 0 : index
    %get3A_0 = arith.constant 0 : index
    %get3A_1 = arith.constant 0 : index
    %get3A_2 = vector.load %arg3[%get3A, %get3A_0, %get3A_1] : memref<2x1024x16xf32, #tpu.memory_space<vmem>>, vector<1x1024x16xf32>
    %get3A_3 = vector.shape_cast %get3A_2 : vector<1x1024x16xf32> to vector<1024x16xf32>
    %get3A_4 = arith.constant 1 : index
    %get3A_5 = arith.constant 0 : index
    %get3A_6 = arith.constant 0 : index
    %get3A_7 = vector.load %arg3[%get3A_4, %get3A_5, %get3A_6] : memref<2x1024x16xf32, #tpu.memory_space<vmem>>, vector<1x1024x16xf32>
    %get3A_8 = vector.shape_cast %get3A_7 : vector<1x1024x16xf32> to vector<1024x16xf32>
    %add3A = arith.addf %get3A_3, %get3A_8 : vector<1024x16xf32>
    %add3A_9 = arith.constant 1.000000e+00 : f32
    %add3A_10 = vector.broadcast %add3A_9 : f32 to vector<1024x16xf32>
    %add3A_11 = arith.addf %add3A, %add3A_10 : vector<1024x16xf32>
    %max3A = arith.constant 9.99999996E-13 : f32
    %max3A_12 = vector.broadcast %max3A : f32 to vector<1024x16xf32>
    %max3A_13 = arith.maximumf %add3A_11, %max3A_12 : vector<1024x16xf32>
    %rsqrt3A = math.rsqrt %max3A_13 : vector<1024x16xf32>
    %get3A_14 = arith.constant 0 : index
    %get3A_15 = arith.constant 0 : index
    %get3A_16 = vector.load %arg1[%get3A_14, %get3A_15] : memref<1024x128xf32, #tpu.memory_space<vmem>>, vector<1024x128xf32>
    %get3A_17 = arith.constant 0 : index
    %get3A_18 = arith.constant 0 : index
    %get3A_19 = vector.load %arg2[%get3A_17, %get3A_18] : memref<128x16xf32, #tpu.memory_space<vmem>>, vector<128x16xf32>
    %dot_general3A = arith.constant dense<0.000000e+00> : vector<1024x16xf32>
    %dot_general3A_20 = tpu.matmul %get3A_16, %get3A_19, %dot_general3A {dimension_numbers = #tpu.dot_dimension_numbers<[1], [0], [0], [1], [0, 0, 1, 1], [], []>, transpose_lhs_hint = false} : vector<1024x128xf32>, vector<128x16xf32>, vector<1024x16xf32> -> vector<1024x16xf32>
    %swap3A = arith.constant 0 : index
    %swap3A_21 = arith.constant 0 : index
    %swap3A_22 = vector.load %arg4[%swap3A, %swap3A_21] : memref<1024x16xf32, #tpu.memory_space<vmem>>, vector<1024x16xf32>
    tpu.vector_store %arg4[%swap3A, %swap3A_21], %dot_general3A_20 {strides = array<i32>} : memref<1024x16xf32, #tpu.memory_space<vmem>>, vector<1024x16xf32>,
    %mul3A = arith.mulf %dot_general3A_20, %rsqrt3A : vector<1024x16xf32>
    %swap3A_23 = arith.constant 0 : index
    %swap3A_24 = arith.constant 0 : index
    %swap3A_25 = vector.load %arg5[%swap3A_23, %swap3A_24] : memref<1024x16xf32, #tpu.memory_space<vmem>>, vector<1024x16xf32>
    tpu.vector_store %arg5[%swap3A_23, %swap3A_24], %mul3A {strides = array<i32>} : memref<1024x16xf32, #tpu.memory_space<vmem>>, vector<1024x16xf32>,
    %swap3A_26 = arith.constant 0 : index
    %swap3A_27 = arith.constant 0 : index
    %swap3A_28 = vector.load %arg6[%swap3A_26, %swap3A_27] : memref<1024x16xf32, #tpu.memory_space<vmem>>, vector<1024x16xf32>
    tpu.vector_store %arg6[%swap3A_26, %swap3A_27], %rsqrt3A {strides = array<i32>} : memref<1024x16xf32, #tpu.memory_space<vmem>>, vector<1024x16xf32>,
    return
  }
  func.func @transform_0(%arg0: i32) -> (i32, i32) {
    %c0_i32 = arith.constant 0 : i32
    %c0_i32_0 = arith.constant 0 : i32
    return %arg0, %c0_i32 : i32, i32
  }
  func.func @transform_1(%arg0: i32) -> (i32, i32) {
    %c0_i32 = arith.constant 0 : i32
    %c0_i32_0 = arith.constant 0 : i32
    %c0_i32_1 = arith.constant 0 : i32
    return %c0_i32, %c0_i32_0 : i32, i32
  }
  func.func @transform_2(%arg0: i32) -> (i32, i32, i32) {
    %c0_i32 = arith.constant 0 : i32
    %c0_i32_0 = arith.constant 0 : i32
    %c0_i32_1 = arith.constant 0 : i32
    return %c0_i32, %arg0, %c0_i32_0 : i32, i32, i32
  }
  func.func @transform_3(%arg0: i32) -> (i32, i32) {
    %c0_i32 = arith.constant 0 : i32
    %c0_i32_0 = arith.constant 0 : i32
    return %arg0, %c0_i32 : i32, i32
  }
  func.func @transform_4(%arg0: i32) -> (i32, i32) {
    %c0_i32 = arith.constant 0 : i32
    %c0_i32_0 = arith.constant 0 : i32
    return %arg0, %c0_i32 : i32, i32
  }
  func.func @transform_5(%arg0: i32) -> (i32, i32) {
    %c0_i32 = arith.constant 0 : i32
    %c0_i32_0 = arith.constant 0 : i32
    return %arg0, %c0_i32 : i32, i32
  }
}

module attributes {stable_mosaic.version = 14 : i64} {
  func.func @_tc2_body(%arg0: i32, %arg1: memref<2x1024x16xf32, #tpu.memory_space<vmem>>, %arg2: memref<1024x16xf32, #tpu.memory_space<vmem>>, %arg3: memref<1024x16xf32, #tpu.memory_space<vmem>>, %arg4: memref<1x16xf32, #tpu.memory_space<vmem>>, %arg5: memref<1024x16xf32, #tpu.memory_space<vmem>>, %arg6: memref<1024x16xf32, #tpu.memory_space<vmem>>) attributes {dimension_semantics = [#tpu.dimension_semantics<arbitrary>], iteration_bounds = array<i64: 10>, scalar_prefetch = 0 : i64, scratch_operands = 0 : i64, tpu.core_type = #tpu.core_type<tc>, window_params = [{transform_indices = @transform_0, window_bounds = array<i64: 2, 1024, 16>}, {transform_indices = @transform_1, window_bounds = array<i64: 1024, 16>}, {transform_indices = @transform_2, window_bounds = array<i64: 1024, 16>}, {pipeline_mode = #tpu.pipeline_mode<synchronous>, transform_indices = @transform_3, window_bounds = array<i64: 1, 16>}, {transform_indices = @transform_4, window_bounds = array<i64: 1024, 16>}, {transform_indices = @transform_5, window_bounds = array<i64: 1024, 16>}]} {
    %get3A = arith.constant 0 : index
    %get3A_0 = arith.constant 0 : index
    %get3A_1 = vector.load %arg3[%get3A, %get3A_0] : memref<1024x16xf32, #tpu.memory_space<vmem>>, vector<1024x16xf32>
    %get3A_2 = arith.constant 0 : index
    %get3A_3 = arith.constant 0 : index
    %get3A_4 = arith.constant 0 : index
    %get3A_5 = vector.load %arg1[%get3A_2, %get3A_3, %get3A_4] : memref<2x1024x16xf32, #tpu.memory_space<vmem>>, vector<1x1024x16xf32>
    %get3A_6 = vector.shape_cast %get3A_5 : vector<1x1024x16xf32> to vector<1024x16xf32>
    %get3A_7 = arith.constant 1 : index
    %get3A_8 = arith.constant 0 : index
    %get3A_9 = arith.constant 0 : index
    %get3A_10 = vector.load %arg1[%get3A_7, %get3A_8, %get3A_9] : memref<2x1024x16xf32, #tpu.memory_space<vmem>>, vector<1x1024x16xf32>
    %get3A_11 = vector.shape_cast %get3A_10 : vector<1x1024x16xf32> to vector<1024x16xf32>
    %add3A = arith.addf %get3A_6, %get3A_11 : vector<1024x16xf32>
    %mul3A = arith.mulf %get3A_1, %add3A : vector<1024x16xf32>
    %mul3A_12 = arith.mulf %get3A_1, %get3A_1 : vector<1024x16xf32>
    %get3A_13 = arith.constant 0 : index
    %get3A_14 = arith.constant 0 : index
    %get3A_15 = vector.load %arg2[%get3A_13, %get3A_14] : memref<1024x16xf32, #tpu.memory_space<vmem>>, vector<1024x16xf32>
    %mul3A_16 = arith.mulf %mul3A_12, %get3A_15 : vector<1024x16xf32>
    %add3A_17 = arith.addf %mul3A, %mul3A_16 : vector<1024x16xf32>
    %get3A_18 = arith.constant 0 : index
    %get3A_19 = arith.constant 0 : index
    %get3A_20 = vector.load %arg4[%get3A_18, %get3A_19] : memref<1x16xf32, #tpu.memory_space<vmem>>, vector<1x16xf32>
    %add3A_21 = vector.broadcast %get3A_20 : vector<1x16xf32> to vector<1024x16xf32>
    %add3A_22 = arith.addf %add3A_17, %add3A_21 : vector<1024x16xf32>
    %tanh3A = math.tanh %add3A_22 : vector<1024x16xf32>
    %swap3A = arith.constant 0 : index
    %swap3A_23 = arith.constant 0 : index
    %swap3A_24 = vector.load %arg5[%swap3A, %swap3A_23] : memref<1024x16xf32, #tpu.memory_space<vmem>>, vector<1024x16xf32>
    tpu.vector_store %arg5[%swap3A, %swap3A_23], %tanh3A {strides = array<i32>} : memref<1024x16xf32, #tpu.memory_space<vmem>>, vector<1024x16xf32>,
    %mul3A_25 = arith.mulf %tanh3A, %get3A_1 : vector<1024x16xf32>
    %swap3A_26 = arith.constant 0 : index
    %swap3A_27 = arith.constant 0 : index
    %swap3A_28 = vector.load %arg6[%swap3A_26, %swap3A_27] : memref<1024x16xf32, #tpu.memory_space<vmem>>, vector<1024x16xf32>
    tpu.vector_store %arg6[%swap3A_26, %swap3A_27], %mul3A_25 {strides = array<i32>} : memref<1024x16xf32, #tpu.memory_space<vmem>>, vector<1024x16xf32>,
    return
  }
  func.func @transform_0(%arg0: i32) -> (i32, i32, i32) {
    %c0_i32 = arith.constant 0 : i32
    %c0_i32_0 = arith.constant 0 : i32
    %c0_i32_1 = arith.constant 0 : i32
    return %c0_i32, %arg0, %c0_i32_0 : i32, i32, i32
  }
  func.func @transform_1(%arg0: i32) -> (i32, i32) {
    %c0_i32 = arith.constant 0 : i32
    %c0_i32_0 = arith.constant 0 : i32
    return %arg0, %c0_i32 : i32, i32
  }
  func.func @transform_2(%arg0: i32) -> (i32, i32) {
    %c0_i32 = arith.constant 0 : i32
    %c0_i32_0 = arith.constant 0 : i32
    return %arg0, %c0_i32 : i32, i32
  }
  func.func @transform_3(%arg0: i32) -> (i32, i32) {
    %c0_i32 = arith.constant 0 : i32
    %c0_i32_0 = arith.constant 0 : i32
    %c0_i32_1 = arith.constant 0 : i32
    return %c0_i32, %c0_i32_0 : i32, i32
  }
  func.func @transform_4(%arg0: i32) -> (i32, i32) {
    %c0_i32 = arith.constant 0 : i32
    %c0_i32_0 = arith.constant 0 : i32
    return %arg0, %c0_i32 : i32, i32
  }
  func.func @transform_5(%arg0: i32) -> (i32, i32) {
    %c0_i32 = arith.constant 0 : i32
    %c0_i32_0 = arith.constant 0 : i32
    return %arg0, %c0_i32 : i32, i32
  }
}

module attributes {stable_mosaic.version = 14 : i64} {
  func.func @_tc3_body(%arg0: i32, %arg1: memref<2x1024x16xf32, #tpu.memory_space<vmem>>, %arg2: memref<1024x16xf32, #tpu.memory_space<vmem>>, %arg3: memref<1024x16xf32, #tpu.memory_space<vmem>>, %arg4: memref<16x128xf32, #tpu.memory_space<vmem>>, %arg5: memref<1x128xf32, #tpu.memory_space<vmem>>, %arg6: memref<1024x128xf32, #tpu.memory_space<vmem>>) attributes {dimension_semantics = [#tpu.dimension_semantics<arbitrary>], iteration_bounds = array<i64: 10>, scalar_prefetch = 0 : i64, scratch_operands = 0 : i64, tpu.core_type = #tpu.core_type<tc>, window_params = [{transform_indices = @transform_0, window_bounds = array<i64: 2, 1024, 16>}, {transform_indices = @transform_1, window_bounds = array<i64: 1024, 16>}, {transform_indices = @transform_2, window_bounds = array<i64: 1024, 16>}, {pipeline_mode = #tpu.pipeline_mode<synchronous>, transform_indices = @transform_3, window_bounds = array<i64: 16, 128>}, {pipeline_mode = #tpu.pipeline_mode<synchronous>, transform_indices = @transform_4, window_bounds = array<i64: 1, 128>}, {transform_indices = @transform_5, window_bounds = array<i64: 1024, 128>}]} {
    %get3A = arith.constant 0 : index
    %get3A_0 = arith.constant 0 : index
    %get3A_1 = vector.load %arg3[%get3A, %get3A_0] : memref<1024x16xf32, #tpu.memory_space<vmem>>, vector<1024x16xf32>
    %get3A_2 = arith.constant 0 : index
    %get3A_3 = arith.constant 0 : index
    %get3A_4 = arith.constant 0 : index
    %get3A_5 = vector.load %arg1[%get3A_2, %get3A_3, %get3A_4] : memref<2x1024x16xf32, #tpu.memory_space<vmem>>, vector<1x1024x16xf32>
    %get3A_6 = vector.shape_cast %get3A_5 : vector<1x1024x16xf32> to vector<1024x16xf32>
    %get3A_7 = arith.constant 1 : index
    %get3A_8 = arith.constant 0 : index
    %get3A_9 = arith.constant 0 : index
    %get3A_10 = vector.load %arg1[%get3A_7, %get3A_8, %get3A_9] : memref<2x1024x16xf32, #tpu.memory_space<vmem>>, vector<1x1024x16xf32>
    %get3A_11 = vector.shape_cast %get3A_10 : vector<1x1024x16xf32> to vector<1024x16xf32>
    %add3A = arith.addf %get3A_6, %get3A_11 : vector<1024x16xf32>
    %mul3A = arith.mulf %get3A_1, %add3A : vector<1024x16xf32>
    %mul3A_12 = arith.mulf %get3A_1, %get3A_1 : vector<1024x16xf32>
    %get3A_13 = arith.constant 0 : index
    %get3A_14 = arith.constant 0 : index
    %get3A_15 = vector.load %arg2[%get3A_13, %get3A_14] : memref<1024x16xf32, #tpu.memory_space<vmem>>, vector<1024x16xf32>
    %mul3A_16 = arith.mulf %mul3A_12, %get3A_15 : vector<1024x16xf32>
    %add3A_17 = arith.addf %mul3A, %mul3A_16 : vector<1024x16xf32>
    %get3A_18 = arith.constant 0 : index
    %get3A_19 = arith.constant 0 : index
    %get3A_20 = vector.load %arg4[%get3A_18, %get3A_19] : memref<16x128xf32, #tpu.memory_space<vmem>>, vector<16x128xf32>
    %dot_general3A = arith.constant dense<0.000000e+00> : vector<1024x128xf32>
    %dot_general3A_21 = tpu.matmul %add3A_17, %get3A_20, %dot_general3A {dimension_numbers = #tpu.dot_dimension_numbers<[1], [0], [0], [1], [0, 0, 1, 1], [], []>, transpose_lhs_hint = false} : vector<1024x16xf32>, vector<16x128xf32>, vector<1024x128xf32> -> vector<1024x128xf32>
    %get3A_22 = arith.constant 0 : index
    %get3A_23 = arith.constant 0 : index
    %get3A_24 = vector.load %arg5[%get3A_22, %get3A_23] : memref<1x128xf32, #tpu.memory_space<vmem>>, vector<1x128xf32>
    %add3A_25 = vector.broadcast %get3A_24 : vector<1x128xf32> to vector<1024x128xf32>
    %add3A_26 = arith.addf %dot_general3A_21, %add3A_25 : vector<1024x128xf32>
    %swap3A = arith.constant 0 : index
    %swap3A_27 = arith.constant 0 : index
    %swap3A_28 = vector.load %arg6[%swap3A, %swap3A_27] : memref<1024x128xf32, #tpu.memory_space<vmem>>, vector<1024x128xf32>
    tpu.vector_store %arg6[%swap3A, %swap3A_27], %add3A_26 {strides = array<i32>} : memref<1024x128xf32, #tpu.memory_space<vmem>>, vector<1024x128xf32>,
    return
  }
  func.func @transform_0(%arg0: i32) -> (i32, i32, i32) {
    %c0_i32 = arith.constant 0 : i32
    %c0_i32_0 = arith.constant 0 : i32
    %c0_i32_1 = arith.constant 0 : i32
    return %c0_i32, %arg0, %c0_i32_0 : i32, i32, i32
  }
  func.func @transform_1(%arg0: i32) -> (i32, i32) {
    %c0_i32 = arith.constant 0 : i32
    %c0_i32_0 = arith.constant 0 : i32
    return %arg0, %c0_i32 : i32, i32
  }
  func.func @transform_2(%arg0: i32) -> (i32, i32) {
    %c0_i32 = arith.constant 0 : i32
    %c0_i32_0 = arith.constant 0 : i32
    return %arg0, %c0_i32 : i32, i32
  }
  func.func @transform_3(%arg0: i32) -> (i32, i32) {
    %c0_i32 = arith.constant 0 : i32
    %c0_i32_0 = arith.constant 0 : i32
    %c0_i32_1 = arith.constant 0 : i32
    return %c0_i32, %c0_i32_0 : i32, i32
  }
  func.func @transform_4(%arg0: i32) -> (i32, i32) {
    %c0_i32 = arith.constant 0 : i32
    %c0_i32_0 = arith.constant 0 : i32
    %c0_i32_1 = arith.constant 0 : i32
    return %c0_i32, %c0_i32_0 : i32, i32
  }
  func.func @transform_5(%arg0: i32) -> (i32, i32) {
    %c0_i32 = arith.constant 0 : i32
    %c0_i32_0 = arith.constant 0 : i32
    return %arg0, %c0_i32 : i32, i32
  }
}

</mosaic_0001>

<sc_bundles>
// kernel: kernel.11.cloned.1.call-start
scs
__scs_entry_jumppad:
0x0: {  	(pc) =	sbr.rel $0x88, $3  }
0x1: {  	(tag) =	ssettag $0x0;
	lr =	simm.s32 $0x1  }
0x2: {  	[smem:$0x3F9B] =	sst lr;
	_ =	strace $0xD0000000  }
0x3: {  	_ = 	snop  }
0x4: {  	_ = 	snop  }
0x5: {  	_ = 	snop  }
0x6: {  	_ = 	snop  }
0x7: {  	_ = 	snop  }
__scs_overlays_trampoline_lowered:
0x8: {  	[smem:$0x3FAA] =	sst s0  }
0x9: {  	[smem:$0x3FAB] =	sst s1  }
0xa: {  	[smem:$0x3FAC] =	sst s2  }
0xb: {  	[smem:$0x3FAD] =	sst s3  }
0xc: {  	[smem:$0x3FAE] =	sst s4  }
0xd: {  	[smem:$0x3FAF] =	sst s5  }
0xe: {  	[smem:$0x3FB0] =	sst s6  }
0xf: {  	[smem:$0x3FB1] =	sst s7  }
0x10: {  	[smem:$0x3FB2] =	sst s8  }
0x11: {  	[smem:$0x3FB3] =	sst s9;
	s0 =	simm.s32 @!p0 $0x0  }
0x12: {  	s1 =	sld [smem:$0x3F99];
	s0 =	simm.s32 @p0 $0x1  }
0x13: {  	[smem:$0x3FB4] =	sst s0;
	s0 =	simm.s32 @!p1 $0x0  }
0x14: {  	s2 =	sld [smem:$0x3F98];
	s0 =	simm.s32 @p1 $0x1  }
0x15: {  	[smem:$0x3FB5] =	sst s0;
	s0 =	simm.s32 @!p2 $0x0  }
0x16: {  	s3 =	sld [smem:$0x3FDB];
	s0 =	simm.s32 @p2 $0x1  }
0x17: {  	s4 =	simm.s32 $0x1BF5;
	[smem:$0x3FB7] =	sst s0  }
0x18: {  	s0 =	sld [smem:$0x3F9A];
	_ =	swait.ge [sflag:s4], $0x0  }
0x19: {  	s7 =	sld [smem:$0x3F9B]  }
0x1a: {  	s8 =	sadd.s32 $0xFFFFE003, lr  }
0x1b: {  	s9 =	sadd.s32 $0xFFFFFEF7, lr;
	s5 =	simm.s32 $0xFFFFFFFF;
	p2 =	slt.u32 s8, $0xFFFFF086  }
0x1c: {  	p1 =	slt.u32 s9, $0xF7A;
	s5 =	simm.s32 @!p2 $0x0  }
0x1d: {  	s5 =	simm.s32 @p1 $0x1;
	p0 =	seq.s32 s7, s2  }
0x1e: {  	s7 =	smul.u32 @!p0 $0xF7A, s2;
	p2 =	seq.s32 @!p0 s5, $0x0  }
0x1f: {  	s9 =	smul.u32 $0xF7A, s1;
	s8 =	simm.s32 @!p0 $0x1BF5;
	p2 =	por !p2, p0  }
0x20: {  	[sflag:s8] =	ssyncset.s32 @!p0 $0xFFFFF086;
	s6 =	sadd.s32 @!p0 s3, s7;
	s7 =	simm.s32 @!p0 $0x108  }
0x21: {  	s3 =	sadd.s32 s3, s9;
	s6 =	sadd.s32 @!p0 $0x88, s6;
	s7 =	simm.s32 @p2 $0x1082  }
0x22: {  	[simem:s7], [sflag:s8] =	dma.local @!p0 [hbm:s6], $0xF7A  }
0x23: {  	s9 =	sor.u32 $0xD0000000, s2;
	s6 =	simm.s32 $0x108;
	_ =	swait.ge @!p0 [sflag:s8], $0x0  }
0x24: {  	s3 =	sadd.s32 $0x88, s3;
	s6 =	simm.s32 @!p1 $0x1082;
	[sflag:s4] =	ssyncset.s32 $0xFFFFF086  }
0x25: {  	[simem:s6], [sflag:s4] =	dma.local [hbm:s3], $0xF7A  }
0x26: {  	[smem:$0x3F9B] =	sst s1;
	(tag) =	ssettag s2;
	_ =	strace s9  }
0x27: {  	s1 =	sld [smem:$0x3FAB]  }
0x28: {  	s2 =	sld [smem:$0x3FAC]  }
0x29: {  	s4 =	sld [smem:$0x3FAE]  }
0x2a: {  	p0 =	seq.s32 s5, $0x0;
	s5 =	sld [smem:$0x3FAF]  }
0x2b: {  	s6 =	sld [smem:$0x3FB0]  }
0x2c: {  	s7 =	sld [smem:$0x3FB1]  }
0x2d: {  	s3 =	simm.s32 $0x108;
	s8 =	sld [smem:$0x3FB2]  }
0x2e: {  	s3 =	simm.s32 @!p0 $0x1082;
	s9 =	sld [smem:$0x3FB3]  }
0x2f: {  	lr =	sadd.s32 s0, s3;
	s0 =	sld [smem:$0x3FAA]  }
0x30: {  	s3 =	sld [smem:$0x3FAD]  }
0x31: {  	[smem:$0x3FB6] =	sst s10  }
0x32: {  	s10 =	sld [smem:$0x3FB4];
	_ =	sdelay $0x3  }
0x33: {  	p0 =	seq.s32 s10, $0x1;
	s10 =	sld [smem:$0x3FB6];
	_ =	sdelay $0x3  }
0x34: {  	[smem:$0x3FB6] =	sst s10  }
0x35: {  	s10 =	sld [smem:$0x3FB5];
	_ =	sdelay $0x3  }
0x36: {  	p1 =	seq.s32 s10, $0x1;
	s10 =	sld [smem:$0x3FB6];
	_ =	sdelay $0x3  }
0x37: {  	[smem:$0x3FB6] =	sst s10  }
0x38: {  	s10 =	sld [smem:$0x3FB7]  }
0x39: {  	_ = 	snop;
	(pc) =	sbr.ind lr, $3  }
0x3a: {  	_ = 	snop  }
0x3b: {  	_ = 	snop  }
0x3c: {  	p2 =	seq.s32 s10, $0x1;
	s10 =	sld [smem:$0x3FB6]  }
0x3d: {  	_ =	shalt  }
0x3e: {  	_ =	shalt  }
0x3f: {  	_ =	shalt  }
0x40: {  	_ =	shalt  }
0x41: {  	_ =	shalt  }
0x42: {  	_ =	shalt  }
0x43: {  	_ =	shalt  }
0x44: {  	_ =	shalt  }
0x45: {  	_ =	shalt  }
0x46: {  	_ =	shalt  }
0x47: {  	_ =	shalt  }
0x48: {  	_ =	shalt  }
0x49: {  	_ =	shalt  }
0x4a: {  	_ =	shalt  }
0x4b: {  	_ =	shalt  }
0x4c: {  	_ =	shalt  }
0x4d: {  	_ =	shalt  }
0x4e: {  	_ =	shalt  }
0x4f: {  	_ =	shalt  }
0x50: {  	_ =	shalt  }
0x51: {  	_ =	shalt  }
0x52: {  	_ =	shalt  }
0x53: {  	_ =	shalt  }
0x54: {  	_ =	shalt  }
0x55: {  	_ =	shalt  }
0x56: {  	_ =	shalt  }
0x57: {  	_ =	shalt  }
0x58: {  	_ =	shalt  }
0x59: {  	_ =	shalt  }
0x5a: {  	_ =	shalt  }
0x5b: {  	_ =	shalt  }
0x5c: {  	_ =	shalt  }
0x5d: {  	_ =	shalt  }
0x5e: {  	_ =	shalt  }
0x5f: {  	_ =	shalt  }
0x60: {  	_ =	shalt  }
0x61: {  	_ =	shalt  }
0x62: {  	_ =	shalt  }
0x63: {  	_ =	shalt  }
0x64: {  	_ =	shalt  }
0x65: {  	_ =	shalt  }
0x66: {  	_ =	shalt  }
0x67: {  	_ =	shalt  }
0x68: {  	_ =	shalt  }
0x69: {  	_ =	shalt  }
0x6a: {  	_ =	shalt  }
0x6b: {  	_ =	shalt  }
0x6c: {  	_ =	shalt  }
0x6d: {  	_ =	shalt  }
0x6e: {  	_ =	shalt  }
0x6f: {  	_ =	shalt  }
0x70: {  	_ =	shalt  }
0x71: {  	_ =	shalt  }
0x72: {  	_ =	shalt  }
0x73: {  	_ =	shalt  }
0x74: {  	_ =	shalt  }
0x75: {  	_ =	shalt  }
0x76: {  	_ =	shalt  }
0x77: {  	_ =	shalt  }
0x78: {  	_ =	shalt  }
0x79: {  	_ =	shalt  }
0x7a: {  	_ =	shalt  }
0x7b: {  	_ =	shalt  }
0x7c: {  	_ =	shalt  }
0x7d: {  	_ =	shalt  }
0x7e: {  	_ =	shalt  }
0x7f: {  	_ =	shalt  }
0x80: {  	_ =	shalt  }
0x81: {  	_ =	shalt  }
0x82: {  	_ =	shalt  }
0x83: {  	_ =	shalt  }
0x84: {  	_ =	shalt  }
0x85: {  	_ =	shalt  }
0x86: {  	_ =	shalt  }
0x87: {  	_ =	shalt  }
.Lfunc_end0:
.L_simem_size_0:
called_computation.1_lowered:
.L_overlay_start_0:
0x88: {  	s2 =	sld [smem:$0x3FD9]  }
0x89: {  	s3 =	sld [smem:$0x3FFE];
	_ =	sdelay $0x1  }
0x8a: {  	s1 =	srdreg.scid  }
0x8b: {  	s0 =	sand.u32 $0x1, s1  }
0x8c: {  	s17 =	sshll.u32 s0, $0xA;
	s2 =	sadd.s32 s3, s2  }
0x8d: {  	s2 =	sadd.s32 s2, s17  }
0x8e: {  	[smem:$0x3FC2] =	sst s2  }
0x8f: {  	_ = 	snop  }
0x90: {  	s2 =	sld [smem:$0x3FD0];
	(tm) =	ssettm $0x1  }
0x91: {  	s18 =	sld [smem:$0x3FFB];
	_ =	sdelay $0x3  }
0x92: {  	_ =	strace s18  }
0x93: {  	s3 =	sld [smem:$0x3FFC];
	_ =	sdelay $0x3  }
0x94: {  	_ =	strace s3  }
0x95: {  	s3 =	sld [smem:$0x3FFD];
	_ =	sdelay $0x3  }
0x96: {  	_ =	strace s3  }
0x97: {  	_ =	strace $0x8FFFFFFF  }
0x98: {  	s19 =	sld [smem:$0x3FDB];
	_ =	sdelay $0x1  }
0x99: {  	s4 =	simm.s32 $_scs_section_size  }
0x9a: {  	s5 =	simm.s32 $_size__tile_overlayer_lowered;
	s6 =	simm.s32 $_tile_overlayer_lowered  }
0x9b: {  	s22 =	simm.s32 $0x1BFF;
	s21 =	sshll.u32 s6, $0x1;
	s3 =	sadd.s32 s4, s19  }
0x9c: {  	s7 =	simm.s32 $0x0;
	s20 =	sshll.u32 s5, $0x1;
	s5 =	sadd.s32 s21, s3  }
0x9d: {  	[timem:s7], [sflag:s22] =	dma.local [hbm:s5], s20  }
0x9e: {  	_ =	swait.ge [sflag:s22], s20  }
0x9f: {  	s4 =	ssub.s32 $0x0, s20;
	[sflag:s22] =	ssyncset.done $0x0  }
0xa0: {  	[sflag:s22] =	ssyncadd.s32 s4;
	_ =	sdelay $0x1  }
0xa1: {  	s23 =	simm.s32 $0x1B8B  }
0xa2: {  	_ =	swait.ge [sflag:s23], $0x1  }
0xa3: {  	[sflag:s23] =	ssyncset.done $0x0  }
0xa4: {  	s25 =	simm.s32 $0x1B8E;
	s24 =	sld [smem:$0x3FFE];
	[sflag:s23] =	ssyncadd.s32 $0xFFFFFFFF  }
0xa5: {  	s26 =	simm.s32 $execute0_lowered;
	[smem:$0x3FD2] =	sst s25  }
0xa6: {  	s5 =	sshll.u32 s26, $0x1;
	_ =	strace $0x80000049;
	[dreg:$0x1] =	wrdreg $0xFFFFFFFF  }
0xa7: {  	s28 =	simm.s32 $_size_execute0_lowered;
	s3 =	sadd.s32 s3, s5;
	[dreg:$0x0] =	wrdreg $0x0  }
0xa8: {  	s5 =	sshll.u32 s28, $0x1;
	[dreg:$0x2] =	wrdreg s3  }
0xa9: {  	[dreg:$0x3] =	wrdreg s5  }
0xaa: {  	[dreg:$0x4] =	wrdreg $0xC0  }
0xab: {  	_ =	task [dreg:s7], $0x5FFFF  }
0xac: {  	[dreg:$0x1] =	wrdreg $0xFFFFFFFF  }
0xad: {  	[dreg:$0x0] =	wrdreg $0x60  }
0xae: {  	[dreg:$0x2] =	wrdreg s24  }
0xaf: {  	[dreg:$0x3] =	wrdreg s2  }
0xb0: {  	[dreg:$0x4] =	wrdreg $0x7E000  }
0xb1: {  	[dreg:$0x5] =	wrdreg $0x9  }
0xb2: {  	_ =	task.clear_ibuf [dreg:s7], $0x6FFFF;
	_ =	strace $0x90000049  }
0xb3: {  	s29 =	simm.s32 $0x9;
	_ =	strace $0x8000004B  }
0xb4: {  	_ =	swait.ge [sflag:s29], $0x1  }
0xb5: {  	[sflag:s29] =	ssyncadd.s32 $0xFFFFFFFF  }
0xb6: {  	_ =	strace $0x9000004B  }
0xb7: {  	_ =	sfence  }
0xb8: {  	s30 =	sld [smem:$0x0];
	_ =	sdelay $0x2  }
0xb9: {  	s31 =	sshll.u32 s1, $0xD;
	s1 =	sshrl.u32 s1, $0x2  }
0xba: {  	s3 =	sand.u32 $0x4000, s31;
	s1 =	sadd.s32 s1, s30  }
0xbb: {  	s0 =	sor.u32 s3, s0;
	s1 =	sshll.u32 s1, $0x11  }
0xbc: {  	s0 =	sor.u32 s1, s0  }
0xbd: {  	s0 =	sadd.s32 $0x8F2B, s0  }
0xbe: {  	[sflag:s0] =	ssyncadd.remote.s32 $0x1  }
0xbf: {  	_ =	sfence.sel $0xFFFF  }
0xc0: {  	[dreg:$0x0] =	wrdreg $0xFFFFFFFF;
	(pc) =	sbr.abs _section_cstart, $3  }
0xc1: {  	[dreg:$0x1] =	wrdreg $0xFFFFFFFF  }
0xc2: {  	_ =	task.clear_ibuf [dreg:s7], $0x2FFFF;
	_ =	strace $0x9FFFFFFF  }
0xc3: {  	(tm) =	ssettm $0x7FFFFFFF  }
tec
execute0_lowered:
.L_overlay_start_1:
0x0: {  	(tag) =	ssettag $0x1  }
0x1: {  	s0 =	rddreg [dreg:$0x0]  }
0x2: {  	s1 =	rddreg [dreg:$0x1]  }
0x3: {  	s2 =	rddreg [dreg:$0x2];
	s14 =	stileid.u32  }
0x4: {  	s3 =	srdreg.scid;
	s4 =	simm.s32 $0x0;
	s16 =	simm.s32 $0x9  }
0x5: {  	s17 =	simm.s32 $0x80;
	s18 =	simm.s32 $0x5E00;
	s28 =	simm.s32 $0x8  }
0x6: {  	s29 =	simm.s32 $0x5;
	s30 =	simm.s32 $0x6;
	s10 =	smul.u32 $0x2800, s14  }
0x7: {  	s31 =	simm.s32 $0x0;
	s3 =	sand.u32 $0x1, s3;
	s7 =	smul.u32 $0x2100, s14  }
0x8: {  	[smem:$0x7FF] =	sst s4;
	s4 =	sadd.s32 $0x6800, s0;
	s12 =	smul.u32 $0x5E0, s14  }
0x9: {  	s8 =	sadd.s32 $0x10A00, s0;
	s26 =	sshll.u32 s14, $0x6;
	s5 =	smul.u32 $0x28000, s3  }
0xa: {  	_ =	strace $0x8000004A;
	s22 =	ssub.s32 $0x2, s3;
	p0 =	seq.s32 s3, $0x0  }
0xb: {  	s14 =	sor.u32 $0x1C09, s26;
	s26 =	simm.s32 $0x7;
	s6 =	sshrl.u32 s10, $0x3  }
0xc: {  	s9 =	sshrl.u32 s22, $0x1;
	s7 =	sshrl.u32 s7, $0x3;
	s25 =	sadd.s32 s10, s2  }
0xd: {  	s5 =	sadd.s32 s10, s5;
	s11 =	sadd.s32 s6, s0;
	s7 =	sadd.s32 $0x5E00, s7  }
0xe: {  	s13 =	ssub.s32 s22, s9;
	s9 =	sadd.s32 s1, s12;
	s15 =	sshrl.u32 s25, $0x3  }
0xf: {  	s22 =	simm.s32 $0x1;
	s5 =	sshrl.u32 s5, $0x3;
	s23 =	sadd.s32 s8, s7  }
0x10: {  	s24 =	sadd.s32 s1, s7;
	s8 =	sadd.s32 s8, s12;
	s10 =	sadd.s32 $0x1800, s11  }
0x11: {  	s0 =	sadd.s32 s5, s0;
	s5 =	simm.s32 $0x5E;
	[dreg:$0x4] =	wrdreg s23  }
0x12: {  	s12 =	smax.u32 s13, $0x1;
	[dreg:$0x5] =	wrdreg s24;
	s5 =	simm.s32 @!p0 $0x42  }
0x13: {  	s11 =	sadd.s32 $0x1AA00, s0;
	p0 =	sne.s32 s3, $0x0;
	s13 =	sadd.s32 $0xFFFFFFFF, s5  }
.LBB2_1:
0x14: {  	s0 =	simm.s32 @p0 $0x0;
	s1 =	rddreg [dreg:$0x4]  }
0x15: {  	[tilespmem:s0], [sflag:$0x9] =	stream.linear.gather @p0 [hbm4b:s1+s0], $0x2100, $0x38;
	[tilespmem:$0xA600] =	vst v63  }
0x16: {  	s1 =	simm.s32 @p0 $0x9  }
0x17: {  	_ =	swait.ge @p0 [sflag:s1], $0x2100  }
0x18: {  	[sflag:s1] =	ssyncset.done @p0 $0x0  }
0x19: {  	s3 =	simm.s32 @p0 $0x2F00;
	s6 =	rddreg [dreg:$0x5];
	[sflag:s1] =	ssyncadd.s32 @p0 $0xFFFFDF00  }
0x1a: {  	[tilespmem:s3], [sflag:$0x9] =	stream.linear.gather @p0 [hbm4b:s6+s0], $0x2100, $0x38;
	[tilespmem:$0xA600] =	vst v63  }
0x1b: {  	_ =	swait.ge @p0 [sflag:s1], $0x2100  }
0x1c: {  	[sflag:s1] =	ssyncset.done @p0 $0x0  }
0x1d: {  	s0 =	simm.s32 @!p0 $0x0;
	[sflag:s1] =	ssyncadd.s32 @p0 $0xFFFFDF00;
	s1 =	simm.s32 @!p0 $0x9  }
0x1e: {  	[tilespmem:s0], [sflag:$0x9] =	stream.linear.gather @!p0 [hbm4b:s8+s0], $0x2F00, $0x38;
	[tilespmem:$0xA600] =	vst v63  }
0x1f: {  	_ =	swait.ge @!p0 [sflag:s1], $0x2F00  }
0x20: {  	[sflag:s1] =	ssyncset.done @!p0 $0x0  }
0x21: {  	s3 =	simm.s32 @!p0 $0x2F00;
	[sflag:s1] =	ssyncadd.s32 @!p0 $0xFFFFD100  }
0x22: {  	[tilespmem:s3], [sflag:$0x9] =	stream.linear.gather @!p0 [hbm4b:s9+s0], $0x2F00, $0x38;
	[tilespmem:$0xA600] =	vst v63  }
0x23: {  	_ =	swait.ge @!p0 [sflag:s1], $0x2F00  }
0x24: {  	[sflag:s1] =	ssyncset.done @!p0 $0x0  }
0x25: {  	[sflag:s1] =	ssyncadd.s32 @!p0 $0xFFFFD100  }
0x26: {  	[spmem:s15], [sflag:s14] =	dma.local [hbm:s10], $0x500  }
0x27: {  	_ =	swait.ge [sflag:s16], $0x500  }
0x28: {  	[sflag:s16] =	ssyncset.done $0x0  }
0x29: {  	[sflag:s16] =	ssyncadd.s32 $0xFFFFFB00  }
0x2a: {  	s1 =	simm.s32 $0x0;
	[bflag:$0x0] =	sbarrier.arrive $0xFFFF  }
0x2b: {  	[tilespmem:s18], [sflag:$0x1] =	stream.indirect.gather [hbm4b:s4+s17], $0x10, s1, s17, $0xb8;
	[tilespmem:$0xA600] =	vst v63  }
0x2c: {  	s3 =	simm.s32 $0x6600  }
0x2d: {  	[tilespmem:s3], [sflag:$0x2] =	stream.indirect.gather [hbm4b:s4+s17], $0x10, s17, s17, $0xb8;
	[tilespmem:$0xA600] =	vst v63  }
0x2e: {  	s7 =	simm.s32 $0x6E00;
	s6 =	simm.s32 $0x100  }
0x2f: {  	[tilespmem:s7], [sflag:$0x3] =	stream.indirect.gather [hbm4b:s4+s17], $0x10, s6, s17, $0xb8;
	[tilespmem:$0xA600] =	vst v63  }
0x30: {  	s19 =	simm.s32 $0x2F00;
	s20 =	simm.s32 $0x180;
	_ =	swait.ge [sflag:s22], $0x800  }
0x31: {  	s21 =	simm.s32 $0x7600;
	s23 =	simm.s32 $0x1;
	[sflag:s22] =	ssyncset.done $0x0  }
0x32: {  	s25 =	simm.s32 $0x2F80;
	s0 =	sand.u32 $0x3, s23;
	[sflag:s22] =	ssyncadd.s32 $0xFFFFF800  }
0x33: {  	[spmem:s2] =	stream.indirect.scatter.add.f32 [tilespmem:s18], [sflag:$0x5], $0x10, s19, s17, $0xb8;
	[tilespmem:$0xA600] =	vst v63  }
0x34: {  	p1 =	sle.u32 s5, $0x4;
	s24 =	sadd.s32 $0x1, s0;
	s1 =	simm.s32 $0x4  }
0x35: {  	[tilespmem:s21], [sflag:$0x4] =	stream.indirect.gather [hbm4b:s4+s17], $0x10, s20, s17, $0xb8;
	[tilespmem:$0xA600] =	vst v63  }
0x36: {  	p3 =	sne.s32 s13, $0x1;
	s1 =	sand.u32 @!p1 $0x3, s1;
	_ =	swait.ge [sflag:s24], $0x800  }
0x37: {  	s19 =	sshll.u32 s0, $0xB;
	s0 =	sadd.s32 $0x5, s0;
	[sflag:s24] =	ssyncset.done $0x0  }
.Ltmp0:
0x38: {  	s19 =	sadd.s32 $0x5E00, s19;
	[sflag:s24] =	ssyncadd.s32 $0xFFFFF800;
	(pc) =	sbr.rel @!p3 .LBB2_2-.Ltmp0, $4  }
0x39: {  	[spmem:s2] =	stream.indirect.scatter.add.f32 [tilespmem:s19], [sflag:s0], $0x10, s25, s17, $0xb8;
	[tilespmem:$0xA600] =	vst v63  }
0x3a: {  	s3 =	sshll.u32 @!p1 s1, $0xB;
	s19 =	sadd.s32 @!p1 $0x5, s1  }
0x3b: {  	p2 =	por $0x0, $0x0;
	s23 =	sadd.s32 @!p1 $0x5E00, s3;
	_ =	swait.ge @!p1 [sflag:s19], $0x800  }
0x3c: {  	s20 =	sadd.s32 @!p1 $0x1, s1;
	s0 =	simm.s32 $0x200;
	[sflag:s19] =	ssyncset.done @!p1 $0x0  }
0x3d: {  	s1 =	simm.s32 $0x2  }
0x3e: {  	s3 =	simm.s32 $0x3000;
	[sflag:s19] =	ssyncadd.s32 @!p1 $0xFFFFF800;
	s19 =	simm.s32 @!p1 $0x80  }
0x3f: {  	p3 =	sne.s32 s13, $0x2;
	p2 =	por $0x1, $0x1;
	s21 =	sand.u32 $0x3, s1  }
0x40: {  	[tilespmem:s23], [sflag:s20] =	stream.indirect.gather @!p1 [hbm4b:s4+s19], $0x10, s0, s19, $0xb8;
	[tilespmem:$0xA600] =	vst v63  }
0x41: {  	s19 =	simm.s32 $0x5;
	p1 =	sle.u32 s5, $0x5;
	s25 =	sadd.s32 $0x1, s21  }
0x42: {  	s24 =	sshll.u32 s21, $0xB;
	s23 =	sadd.s32 $0x5, s21;
	_ =	swait.ge [sflag:s25], $0x800  }
.Ltmp1:
0x43: {  	s21 =	sand.u32 @!p1 $0x3, s19;
	[sflag:s25] =	ssyncset.done $0x0;
	(pc) =	sbr.rel @!p3 .LBB2_4-.Ltmp1, $4  }
0x44: {  	s24 =	sadd.s32 $0x5E00, s24;
	s19 =	sadd.s32 @!p1 $0x5, s21;
	[sflag:s25] =	ssyncadd.s32 $0xFFFFF800  }
0x45: {  	[spmem:s2] =	stream.indirect.scatter.add.f32 [tilespmem:s24], [sflag:s23], $0x10, s3, s17, $0xb8;
	[tilespmem:$0xA600] =	vst v63  }
0x46: {  	s20 =	sadd.s32 @!p1 $0x1, s21;
	s23 =	sshll.u32 @!p1 s21, $0xB;
	_ =	swait.ge @!p1 [sflag:s19], $0x800  }
0x47: {  	s21 =	simm.s32 $0x200;
	s23 =	sadd.s32 @!p1 $0x5E00, s23;
	[sflag:s19] =	ssyncset.done @!p1 $0x0  }
.LBB2_5:
0x48: {  	s24 =	smov.u32 s1;
	s1 =	sadd.s32 $0x1, s1  }
0x49: {  	s3 =	sadd.s32 $0x80, s3;
	s21 =	sadd.s32 $0x80, s21;
	s25 =	sand.u32 $0x3, s1  }
0x4a: {  	[sflag:s19] =	ssyncadd.s32 @!p1 $0xFFFFF800;
	s19 =	simm.s32 @!p1 $0x80;
	s24 =	sadd.s32 $0x4, s24  }
0x4b: {  	p3 =	sne.s32 s13, s1;
	s6 =	sshll.u32 s25, $0xB;
	s7 =	sadd.s32 $0x1, s25  }
0x4c: {  	[tilespmem:s23], [sflag:s20] =	stream.indirect.gather @!p1 [hbm4b:s4+s19], $0x10, s21, s19, $0xb8;
	[tilespmem:$0xA600] =	vst v63  }
0x4d: {  	s20 =	sadd.s32 $0x5, s25;
	p1 =	sge.u32 s24, s5;
	_ =	swait.ge [sflag:s7], $0x800  }
.Ltmp2:
0x4e: {  	s23 =	sand.u32 @!p1 $0x3, s24;
	[sflag:s7] =	ssyncset.done $0x0;
	(pc) =	sbr.rel @p3 .LBB2_5-.Ltmp2, $4  }
0x4f: {  	s6 =	sadd.s32 $0x5E00, s6;
	s19 =	sadd.s32 @!p1 $0x5, s23;
	[sflag:s7] =	ssyncadd.s32 $0xFFFFF800  }
0x50: {  	[spmem:s2] =	stream.indirect.scatter.add.f32 [tilespmem:s6], [sflag:s20], $0x10, s3, s17, $0xb8;
	[tilespmem:$0xA600] =	vst v63  }
0x51: {  	s6 =	sshll.u32 @!p1 s23, $0xB;
	s20 =	sadd.s32 @!p1 $0x1, s23;
	_ =	swait.ge @!p1 [sflag:s19], $0x800  }
0x52: {  	s23 =	sadd.s32 @!p1 $0x5E00, s6;
	[sflag:s19] =	ssyncset.done @!p1 $0x0  }
.LBB2_6:
0x53: {  	s1 =	sadd.s32 @p2 $0x80, s21  }
0x54: {  	[sflag:s19] =	ssyncadd.s32 @!p1 $0xFFFFF800;
	s3 =	simm.s32 @!p1 $0x80;
	s0 =	smov.u32 @p2 s1  }
0x55: {  	[tilespmem:s23], [sflag:s20] =	stream.indirect.gather @!p1 [hbm4b:s4+s3], $0x10, s0, s3, $0xb8;
	[tilespmem:$0xA600] =	vst v63  }
0x56: {  	_ =	swait.ge [sflag:s26], $0x800  }
0x57: {  	[sflag:s26] =	ssyncset.done $0x0  }
0x58: {  	[sflag:s26] =	ssyncadd.s32 $0xFFFFF800  }
0x59: {  	_ =	swait.ge [sflag:s28], $0x800  }
0x5a: {  	[sflag:s28] =	ssyncset.done $0x0  }
0x5b: {  	[sflag:s28] =	ssyncadd.s32 $0xFFFFF800  }
0x5c: {  	_ =	swait.ge [sflag:s29], $0x800  }
0x5d: {  	[sflag:s29] =	ssyncset.done $0x0  }
0x5e: {  	[sflag:s29] =	ssyncadd.s32 $0xFFFFF800  }
0x5f: {  	_ =	swait.ge [sflag:s30], $0x800  }
0x60: {  	[sflag:s30] =	ssyncset.done $0x0  }
0x61: {  	s31 =	sadd.s32 $0x1, s31;
	[sflag:s30] =	ssyncadd.s32 $0xFFFFF800  }
0x62: {  	p1 =	sne.s32 s31, s12;
	[bflag:$0x0] =	sbarrier.arrive $0xFFFF  }
0x63: {  	[hbm:s11], [sflag:s14] =	dma.local [spmem:s15], $0x500  }
.Ltmp3:
0x64: {  	_ = 	snop;
	(pc) =	sbr.rel @p1 .LBB2_1-.Ltmp3, $4  }
.Ltmp4:
0x65: {  	_ = 	snop;
	(pc) =	sbr.rel @!p1 .LBB2_7-.Ltmp4, $4  }
0x66: {  	_ =	swait.ge [sflag:s16], $0x500  }
0x67: {  	[sflag:s16] =	ssyncset.done $0x0  }
0x68: {  	[sflag:s16] =	ssyncadd.s32 $0xFFFFFB00  }
0x69: {  	_ = 	snop  }
.LBB2_2:
.Ltmp5:
0x6a: {  	(pc) =	sbr.rel .LBB2_6-.Ltmp5, $2  }
0x6b: {  	_ =	sdelay $0x2  }
0x6c: {  	s21 =	simm.s32 $0x200  }
.LBB2_4:
.Ltmp6:
0x6d: {  	(pc) =	sbr.rel .LBB2_6-.Ltmp6, $2  }
0x6e: {  	_ =	sdelay $0x2  }
0x6f: {  	s21 =	simm.s32 $0x200  }
.LBB2_7:
0x70: {  	_ =	sfence.sel $0x180000  }
0x71: {  	[bflag:$0x0] =	sbarrier.arrive $0xFFFF  }
0x72: {  	_ =	strace $0x9000004A  }
0x73: {  	s0 =	stileid.u32;
	[bflag:$0x2] =	sbarrier.arrive $0xFFFF  }
0x74: {  	p0 =	sne.s32 s0, $0x0;
	s0 =	rddreg [dreg:$0x3]  }
0x75: {  	s0 =	sadd.s32 @!p0 $0x100000, s0  }
0x76: {  	[sflag:s0] =	ssyncadd.tile.s32 @!p0 $0x1;
	_ =	shalt  }
.Lfunc_end2:
_tile_overlayer_lowered:
.L_overlay_start_2:
0x77: {  	(tag) =	ssettag $0x2  }
0x78: {  	s0 =	rddreg [dreg:$0x0];
	s2 =	stileid.u32  }
0x79: {  	s1 =	rddreg [dreg:$0x1];
	p0 =	sne.s32 s2, $0x0  }
0x7a: {  	s3 =	rddreg [dreg:$0x2];
	[bflag:$0x3] =	sbarrier.arrive $0xFFFF;
	s2 =	simm.s32 @!p0 $0x1C09  }
0x7b: {  	[timem:s3], [sflag:s2] =	dma.local @!p0 [hbm:s0], s1  }
0x7c: {  	s0 =	simm.s32 @!p0 $0x9  }
0x7d: {  	_ =	swait.ge @!p0 [sflag:s0], s1  }
0x7e: {  	s1 =	ssub.s32 @!p0 $0x0, s1;
	[sflag:s0] =	ssyncset.done @!p0 $0x0  }
0x7f: {  	[sflag:s0] =	ssyncadd.s32 @!p0 s1  }
0x80: {  	[bflag:$0x3] =	sbarrier.arrive $0xFFFF  }
0x81: {  	_ =	shalt  }

// kernel: kernel.14.cloned.1.call-start
scs
__scs_entry_jumppad:
0x0: {  	(pc) =	sbr.rel $0x88, $3  }
0x1: {  	(tag) =	ssettag $0x0;
	lr =	simm.s32 $0x1  }
0x2: {  	[smem:$0x3F9B] =	sst lr;
	_ =	strace $0xD0000000  }
0x3: {  	_ = 	snop  }
0x4: {  	_ = 	snop  }
0x5: {  	_ = 	snop  }
0x6: {  	_ = 	snop  }
0x7: {  	_ = 	snop  }
__scs_overlays_trampoline_lowered:
0x8: {  	[smem:$0x3FAA] =	sst s0  }
0x9: {  	[smem:$0x3FAB] =	sst s1  }
0xa: {  	[smem:$0x3FAC] =	sst s2  }
0xb: {  	[smem:$0x3FAD] =	sst s3  }
0xc: {  	[smem:$0x3FAE] =	sst s4  }
0xd: {  	[smem:$0x3FAF] =	sst s5  }
0xe: {  	[smem:$0x3FB0] =	sst s6  }
0xf: {  	[smem:$0x3FB1] =	sst s7  }
0x10: {  	[smem:$0x3FB2] =	sst s8  }
0x11: {  	[smem:$0x3FB3] =	sst s9;
	s0 =	simm.s32 @!p0 $0x0  }
0x12: {  	s1 =	sld [smem:$0x3F99];
	s0 =	simm.s32 @p0 $0x1  }
0x13: {  	[smem:$0x3FB4] =	sst s0;
	s0 =	simm.s32 @!p1 $0x0  }
0x14: {  	s2 =	sld [smem:$0x3F98];
	s0 =	simm.s32 @p1 $0x1  }
0x15: {  	[smem:$0x3FB5] =	sst s0;
	s0 =	simm.s32 @!p2 $0x0  }
0x16: {  	s3 =	sld [smem:$0x3FDB];
	s0 =	simm.s32 @p2 $0x1  }
0x17: {  	s4 =	simm.s32 $0x1BF5;
	[smem:$0x3FB7] =	sst s0  }
0x18: {  	s0 =	sld [smem:$0x3F9A];
	_ =	swait.ge [sflag:s4], $0x0  }
0x19: {  	s7 =	sld [smem:$0x3F9B]  }
0x1a: {  	s8 =	sadd.s32 $0xFFFFE003, lr  }
0x1b: {  	s9 =	sadd.s32 $0xFFFFFEF7, lr;
	s5 =	simm.s32 $0xFFFFFFFF;
	p2 =	slt.u32 s8, $0xFFFFF086  }
0x1c: {  	p1 =	slt.u32 s9, $0xF7A;
	s5 =	simm.s32 @!p2 $0x0  }
0x1d: {  	s5 =	simm.s32 @p1 $0x1;
	p0 =	seq.s32 s7, s2  }
0x1e: {  	s7 =	smul.u32 @!p0 $0xF7A, s2;
	p2 =	seq.s32 @!p0 s5, $0x0  }
0x1f: {  	s9 =	smul.u32 $0xF7A, s1;
	s8 =	simm.s32 @!p0 $0x1BF5;
	p2 =	por !p2, p0  }
0x20: {  	[sflag:s8] =	ssyncset.s32 @!p0 $0xFFFFF086;
	s6 =	sadd.s32 @!p0 s3, s7;
	s7 =	simm.s32 @!p0 $0x108  }
0x21: {  	s3 =	sadd.s32 s3, s9;
	s6 =	sadd.s32 @!p0 $0x88, s6;
	s7 =	simm.s32 @p2 $0x1082  }
0x22: {  	[simem:s7], [sflag:s8] =	dma.local @!p0 [hbm:s6], $0xF7A  }
0x23: {  	s9 =	sor.u32 $0xD0000000, s2;
	s6 =	simm.s32 $0x108;
	_ =	swait.ge @!p0 [sflag:s8], $0x0  }
0x24: {  	s3 =	sadd.s32 $0x88, s3;
	s6 =	simm.s32 @!p1 $0x1082;
	[sflag:s4] =	ssyncset.s32 $0xFFFFF086  }
0x25: {  	[simem:s6], [sflag:s4] =	dma.local [hbm:s3], $0xF7A  }
0x26: {  	[smem:$0x3F9B] =	sst s1;
	(tag) =	ssettag s2;
	_ =	strace s9  }
0x27: {  	s1 =	sld [smem:$0x3FAB]  }
0x28: {  	s2 =	sld [smem:$0x3FAC]  }
0x29: {  	s4 =	sld [smem:$0x3FAE]  }
0x2a: {  	p0 =	seq.s32 s5, $0x0;
	s5 =	sld [smem:$0x3FAF]  }
0x2b: {  	s6 =	sld [smem:$0x3FB0]  }
0x2c: {  	s7 =	sld [smem:$0x3FB1]  }
0x2d: {  	s3 =	simm.s32 $0x108;
	s8 =	sld [smem:$0x3FB2]  }
0x2e: {  	s3 =	simm.s32 @!p0 $0x1082;
	s9 =	sld [smem:$0x3FB3]  }
0x2f: {  	lr =	sadd.s32 s0, s3;
	s0 =	sld [smem:$0x3FAA]  }
0x30: {  	s3 =	sld [smem:$0x3FAD]  }
0x31: {  	[smem:$0x3FB6] =	sst s10  }
0x32: {  	s10 =	sld [smem:$0x3FB4];
	_ =	sdelay $0x3  }
0x33: {  	p0 =	seq.s32 s10, $0x1;
	s10 =	sld [smem:$0x3FB6];
	_ =	sdelay $0x3  }
0x34: {  	[smem:$0x3FB6] =	sst s10  }
0x35: {  	s10 =	sld [smem:$0x3FB5];
	_ =	sdelay $0x3  }
0x36: {  	p1 =	seq.s32 s10, $0x1;
	s10 =	sld [smem:$0x3FB6];
	_ =	sdelay $0x3  }
0x37: {  	[smem:$0x3FB6] =	sst s10  }
0x38: {  	s10 =	sld [smem:$0x3FB7]  }
0x39: {  	_ = 	snop;
	(pc) =	sbr.ind lr, $3  }
0x3a: {  	_ = 	snop  }
0x3b: {  	_ = 	snop  }
0x3c: {  	p2 =	seq.s32 s10, $0x1;
	s10 =	sld [smem:$0x3FB6]  }
0x3d: {  	_ =	shalt  }
0x3e: {  	_ =	shalt  }
0x3f: {  	_ =	shalt  }
0x40: {  	_ =	shalt  }
0x41: {  	_ =	shalt  }
0x42: {  	_ =	shalt  }
0x43: {  	_ =	shalt  }
0x44: {  	_ =	shalt  }
0x45: {  	_ =	shalt  }
0x46: {  	_ =	shalt  }
0x47: {  	_ =	shalt  }
0x48: {  	_ =	shalt  }
0x49: {  	_ =	shalt  }
0x4a: {  	_ =	shalt  }
0x4b: {  	_ =	shalt  }
0x4c: {  	_ =	shalt  }
0x4d: {  	_ =	shalt  }
0x4e: {  	_ =	shalt  }
0x4f: {  	_ =	shalt  }
0x50: {  	_ =	shalt  }
0x51: {  	_ =	shalt  }
0x52: {  	_ =	shalt  }
0x53: {  	_ =	shalt  }
0x54: {  	_ =	shalt  }
0x55: {  	_ =	shalt  }
0x56: {  	_ =	shalt  }
0x57: {  	_ =	shalt  }
0x58: {  	_ =	shalt  }
0x59: {  	_ =	shalt  }
0x5a: {  	_ =	shalt  }
0x5b: {  	_ =	shalt  }
0x5c: {  	_ =	shalt  }
0x5d: {  	_ =	shalt  }
0x5e: {  	_ =	shalt  }
0x5f: {  	_ =	shalt  }
0x60: {  	_ =	shalt  }
0x61: {  	_ =	shalt  }
0x62: {  	_ =	shalt  }
0x63: {  	_ =	shalt  }
0x64: {  	_ =	shalt  }
0x65: {  	_ =	shalt  }
0x66: {  	_ =	shalt  }
0x67: {  	_ =	shalt  }
0x68: {  	_ =	shalt  }
0x69: {  	_ =	shalt  }
0x6a: {  	_ =	shalt  }
0x6b: {  	_ =	shalt  }
0x6c: {  	_ =	shalt  }
0x6d: {  	_ =	shalt  }
0x6e: {  	_ =	shalt  }
0x6f: {  	_ =	shalt  }
0x70: {  	_ =	shalt  }
0x71: {  	_ =	shalt  }
0x72: {  	_ =	shalt  }
0x73: {  	_ =	shalt  }
0x74: {  	_ =	shalt  }
0x75: {  	_ =	shalt  }
0x76: {  	_ =	shalt  }
0x77: {  	_ =	shalt  }
0x78: {  	_ =	shalt  }
0x79: {  	_ =	shalt  }
0x7a: {  	_ =	shalt  }
0x7b: {  	_ =	shalt  }
0x7c: {  	_ =	shalt  }
0x7d: {  	_ =	shalt  }
0x7e: {  	_ =	shalt  }
0x7f: {  	_ =	shalt  }
0x80: {  	_ =	shalt  }
0x81: {  	_ =	shalt  }
0x82: {  	_ =	shalt  }
0x83: {  	_ =	shalt  }
0x84: {  	_ =	shalt  }
0x85: {  	_ =	shalt  }
0x86: {  	_ =	shalt  }
0x87: {  	_ =	shalt  }
.Lfunc_end0:
.L_simem_size_0:
called_computation.2_lowered:
.L_overlay_start_0:
0x88: {  	s2 =	sld [smem:$0x3FD9]  }
0x89: {  	s3 =	sld [smem:$0x3FFE];
	_ =	sdelay $0x1  }
0x8a: {  	s1 =	srdreg.scid  }
0x8b: {  	s0 =	sand.u32 $0x1, s1  }
0x8c: {  	s17 =	sshll.u32 s0, $0xA;
	s2 =	sadd.s32 s3, s2  }
0x8d: {  	s2 =	sadd.s32 s2, s17  }
0x8e: {  	[smem:$0x3FC2] =	sst s2  }
0x8f: {  	_ = 	snop  }
0x90: {  	s2 =	sld [smem:$0x3FD0];
	(tm) =	ssettm $0x1  }
0x91: {  	s18 =	sld [smem:$0x3FFB];
	_ =	sdelay $0x3  }
0x92: {  	_ =	strace s18  }
0x93: {  	s3 =	sld [smem:$0x3FFC];
	_ =	sdelay $0x3  }
0x94: {  	_ =	strace s3  }
0x95: {  	s3 =	sld [smem:$0x3FFD];
	_ =	sdelay $0x3  }
0x96: {  	_ =	strace s3  }
0x97: {  	_ =	strace $0x8FFFFFFF  }
0x98: {  	s19 =	sld [smem:$0x3FDB];
	_ =	sdelay $0x1  }
0x99: {  	s4 =	simm.s32 $_scs_section_size  }
0x9a: {  	s5 =	simm.s32 $_size__tile_overlayer_lowered;
	s6 =	simm.s32 $_tile_overlayer_lowered  }
0x9b: {  	s22 =	simm.s32 $0x1BFF;
	s21 =	sshll.u32 s6, $0x1;
	s3 =	sadd.s32 s4, s19  }
0x9c: {  	s7 =	simm.s32 $0x0;
	s20 =	sshll.u32 s5, $0x1;
	s5 =	sadd.s32 s21, s3  }
0x9d: {  	[timem:s7], [sflag:s22] =	dma.local [hbm:s5], s20  }
0x9e: {  	_ =	swait.ge [sflag:s22], s20  }
0x9f: {  	s4 =	ssub.s32 $0x0, s20;
	[sflag:s22] =	ssyncset.done $0x0  }
0xa0: {  	[sflag:s22] =	ssyncadd.s32 s4;
	_ =	sdelay $0x1  }
0xa1: {  	s23 =	simm.s32 $0x1B8B  }
0xa2: {  	_ =	swait.ge [sflag:s23], $0x1  }
0xa3: {  	[sflag:s23] =	ssyncset.done $0x0  }
0xa4: {  	s25 =	simm.s32 $0x1B8E;
	s24 =	sld [smem:$0x3FFE];
	[sflag:s23] =	ssyncadd.s32 $0xFFFFFFFF  }
0xa5: {  	s26 =	simm.s32 $execute0_lowered;
	[smem:$0x3FD2] =	sst s25  }
0xa6: {  	s5 =	sshll.u32 s26, $0x1;
	_ =	strace $0x8000004C;
	[dreg:$0x1] =	wrdreg $0xFFFFFFFF  }
0xa7: {  	s28 =	simm.s32 $_size_execute0_lowered;
	s3 =	sadd.s32 s3, s5;
	[dreg:$0x0] =	wrdreg $0x0  }
0xa8: {  	s5 =	sshll.u32 s28, $0x1;
	[dreg:$0x2] =	wrdreg s3  }
0xa9: {  	[dreg:$0x3] =	wrdreg s5  }
0xaa: {  	[dreg:$0x4] =	wrdreg $0xC0  }
0xab: {  	_ =	task [dreg:s7], $0x5FFFF  }
0xac: {  	[dreg:$0x1] =	wrdreg $0xFFFFFFFF  }
0xad: {  	[dreg:$0x0] =	wrdreg $0x60  }
0xae: {  	[dreg:$0x2] =	wrdreg s24  }
0xaf: {  	[dreg:$0x3] =	wrdreg s2  }
0xb0: {  	[dreg:$0x4] =	wrdreg $0x7E000  }
0xb1: {  	[dreg:$0x5] =	wrdreg $0x9  }
0xb2: {  	_ =	task.clear_ibuf [dreg:s7], $0x6FFFF;
	_ =	strace $0x9000004C  }
0xb3: {  	s29 =	simm.s32 $0x9;
	_ =	strace $0x8000004E  }
0xb4: {  	_ =	swait.ge [sflag:s29], $0x1  }
0xb5: {  	[sflag:s29] =	ssyncadd.s32 $0xFFFFFFFF  }
0xb6: {  	_ =	strace $0x9000004E  }
0xb7: {  	_ =	sfence  }
0xb8: {  	s30 =	sld [smem:$0x0];
	_ =	sdelay $0x2  }
0xb9: {  	s31 =	sshll.u32 s1, $0xD;
	s1 =	sshrl.u32 s1, $0x2  }
0xba: {  	s3 =	sand.u32 $0x4000, s31;
	s1 =	sadd.s32 s1, s30  }
0xbb: {  	s0 =	sor.u32 s3, s0;
	s1 =	sshll.u32 s1, $0x11  }
0xbc: {  	s0 =	sor.u32 s1, s0  }
0xbd: {  	s0 =	sadd.s32 $0x8F2B, s0  }
0xbe: {  	[sflag:s0] =	ssyncadd.remote.s32 $0x1  }
0xbf: {  	_ =	sfence.sel $0xFFFF  }
0xc0: {  	[dreg:$0x0] =	wrdreg $0xFFFFFFFF;
	(pc) =	sbr.abs _section_cstart, $3  }
0xc1: {  	[dreg:$0x1] =	wrdreg $0xFFFFFFFF  }
0xc2: {  	_ =	task.clear_ibuf [dreg:s7], $0x2FFFF;
	_ =	strace $0x9FFFFFFF  }
0xc3: {  	(tm) =	ssettm $0x7FFFFFFF  }
tec
execute0_lowered:
.L_overlay_start_1:
0x0: {  	(tag) =	ssettag $0x1  }
0x1: {  	s0 =	rddreg [dreg:$0x0]  }
0x2: {  	s1 =	rddreg [dreg:$0x1]  }
0x3: {  	s2 =	rddreg [dreg:$0x2];
	s14 =	stileid.u32  }
0x4: {  	s3 =	srdreg.scid;
	s4 =	simm.s32 $0x0;
	s16 =	simm.s32 $0x9  }
0x5: {  	s17 =	simm.s32 $0x80;
	s18 =	simm.s32 $0x5E00;
	s28 =	simm.s32 $0x8  }
0x6: {  	s29 =	simm.s32 $0x5;
	s30 =	simm.s32 $0x6;
	s10 =	smul.u32 $0x2800, s14  }
0x7: {  	s31 =	simm.s32 $0x0;
	s3 =	sand.u32 $0x1, s3;
	s7 =	smul.u32 $0x2100, s14  }
0x8: {  	[smem:$0x7FF] =	sst s4;
	s4 =	sadd.s32 $0x6800, s0;
	s12 =	smul.u32 $0x5E0, s14  }
0x9: {  	s8 =	sadd.s32 $0x10A00, s0;
	s26 =	sshll.u32 s14, $0x6;
	s5 =	smul.u32 $0x28000, s3  }
0xa: {  	_ =	strace $0x8000004D;
	s22 =	ssub.s32 $0x2, s3;
	p0 =	seq.s32 s3, $0x0  }
0xb: {  	s14 =	sor.u32 $0x1C09, s26;
	s26 =	simm.s32 $0x7;
	s6 =	sshrl.u32 s10, $0x3  }
0xc: {  	s9 =	sshrl.u32 s22, $0x1;
	s7 =	sshrl.u32 s7, $0x3;
	s25 =	sadd.s32 s10, s2  }
0xd: {  	s5 =	sadd.s32 s10, s5;
	s11 =	sadd.s32 s6, s0;
	s7 =	sadd.s32 $0x5E00, s7  }
0xe: {  	s13 =	ssub.s32 s22, s9;
	s9 =	sadd.s32 s1, s12;
	s15 =	sshrl.u32 s25, $0x3  }
0xf: {  	s22 =	simm.s32 $0x1;
	s5 =	sshrl.u32 s5, $0x3;
	s23 =	sadd.s32 s8, s7  }
0x10: {  	s24 =	sadd.s32 s1, s7;
	s8 =	sadd.s32 s8, s12;
	s10 =	sadd.s32 $0x1800, s11  }
0x11: {  	s0 =	sadd.s32 s5, s0;
	s5 =	simm.s32 $0x5E;
	[dreg:$0x4] =	wrdreg s23  }
0x12: {  	s12 =	smax.u32 s13, $0x1;
	[dreg:$0x5] =	wrdreg s24;
	s5 =	simm.s32 @!p0 $0x42  }
0x13: {  	s11 =	sadd.s32 $0x1AA00, s0;
	p0 =	sne.s32 s3, $0x0;
	s13 =	sadd.s32 $0xFFFFFFFF, s5  }
.LBB2_1:
0x14: {  	s0 =	simm.s32 @p0 $0x0;
	s1 =	rddreg [dreg:$0x4]  }
0x15: {  	[tilespmem:s0], [sflag:$0x9] =	stream.linear.gather @p0 [hbm4b:s1+s0], $0x2100, $0x38;
	[tilespmem:$0xA600] =	vst v63  }
0x16: {  	s1 =	simm.s32 @p0 $0x9  }
0x17: {  	_ =	swait.ge @p0 [sflag:s1], $0x2100  }
0x18: {  	[sflag:s1] =	ssyncset.done @p0 $0x0  }
0x19: {  	s3 =	simm.s32 @p0 $0x2F00;
	s6 =	rddreg [dreg:$0x5];
	[sflag:s1] =	ssyncadd.s32 @p0 $0xFFFFDF00  }
0x1a: {  	[tilespmem:s3], [sflag:$0x9] =	stream.linear.gather @p0 [hbm4b:s6+s0], $0x2100, $0x38;
	[tilespmem:$0xA600] =	vst v63  }
0x1b: {  	_ =	swait.ge @p0 [sflag:s1], $0x2100  }
0x1c: {  	[sflag:s1] =	ssyncset.done @p0 $0x0  }
0x1d: {  	s0 =	simm.s32 @!p0 $0x0;
	[sflag:s1] =	ssyncadd.s32 @p0 $0xFFFFDF00;
	s1 =	simm.s32 @!p0 $0x9  }
0x1e: {  	[tilespmem:s0], [sflag:$0x9] =	stream.linear.gather @!p0 [hbm4b:s8+s0], $0x2F00, $0x38;
	[tilespmem:$0xA600] =	vst v63  }
0x1f: {  	_ =	swait.ge @!p0 [sflag:s1], $0x2F00  }
0x20: {  	[sflag:s1] =	ssyncset.done @!p0 $0x0  }
0x21: {  	s3 =	simm.s32 @!p0 $0x2F00;
	[sflag:s1] =	ssyncadd.s32 @!p0 $0xFFFFD100  }
0x22: {  	[tilespmem:s3], [sflag:$0x9] =	stream.linear.gather @!p0 [hbm4b:s9+s0], $0x2F00, $0x38;
	[tilespmem:$0xA600] =	vst v63  }
0x23: {  	_ =	swait.ge @!p0 [sflag:s1], $0x2F00  }
0x24: {  	[sflag:s1] =	ssyncset.done @!p0 $0x0  }
0x25: {  	[sflag:s1] =	ssyncadd.s32 @!p0 $0xFFFFD100  }
0x26: {  	[spmem:s15], [sflag:s14] =	dma.local [hbm:s10], $0x500  }
0x27: {  	_ =	swait.ge [sflag:s16], $0x500  }
0x28: {  	[sflag:s16] =	ssyncset.done $0x0  }
0x29: {  	[sflag:s16] =	ssyncadd.s32 $0xFFFFFB00  }
0x2a: {  	s1 =	simm.s32 $0x0;
	[bflag:$0x0] =	sbarrier.arrive $0xFFFF  }
0x2b: {  	[tilespmem:s18], [sflag:$0x1] =	stream.indirect.gather [hbm4b:s4+s17], $0x10, s1, s17, $0xb8;
	[tilespmem:$0xA600] =	vst v63  }
0x2c: {  	s3 =	simm.s32 $0x6600  }
0x2d: {  	[tilespmem:s3], [sflag:$0x2] =	stream.indirect.gather [hbm4b:s4+s17], $0x10, s17, s17, $0xb8;
	[tilespmem:$0xA600] =	vst v63  }
0x2e: {  	s7 =	simm.s32 $0x6E00;
	s6 =	simm.s32 $0x100  }
0x2f: {  	[tilespmem:s7], [sflag:$0x3] =	stream.indirect.gather [hbm4b:s4+s17], $0x10, s6, s17, $0xb8;
	[tilespmem:$0xA600] =	vst v63  }
0x30: {  	s19 =	simm.s32 $0x2F00;
	s20 =	simm.s32 $0x180;
	_ =	swait.ge [sflag:s22], $0x800  }
0x31: {  	s21 =	simm.s32 $0x7600;
	s23 =	simm.s32 $0x1;
	[sflag:s22] =	ssyncset.done $0x0  }
0x32: {  	s25 =	simm.s32 $0x2F80;
	s0 =	sand.u32 $0x3, s23;
	[sflag:s22] =	ssyncadd.s32 $0xFFFFF800  }
0x33: {  	[spmem:s2] =	stream.indirect.scatter.add.f32 [tilespmem:s18], [sflag:$0x5], $0x10, s19, s17, $0xb8;
	[tilespmem:$0xA600] =	vst v63  }
0x34: {  	p1 =	sle.u32 s5, $0x4;
	s24 =	sadd.s32 $0x1, s0;
	s1 =	simm.s32 $0x4  }
0x35: {  	[tilespmem:s21], [sflag:$0x4] =	stream.indirect.gather [hbm4b:s4+s17], $0x10, s20, s17, $0xb8;
	[tilespmem:$0xA600] =	vst v63  }
0x36: {  	p3 =	sne.s32 s13, $0x1;
	s1 =	sand.u32 @!p1 $0x3, s1;
	_ =	swait.ge [sflag:s24], $0x800  }
0x37: {  	s19 =	sshll.u32 s0, $0xB;
	s0 =	sadd.s32 $0x5, s0;
	[sflag:s24] =	ssyncset.done $0x0  }
.Ltmp0:
0x38: {  	s19 =	sadd.s32 $0x5E00, s19;
	[sflag:s24] =	ssyncadd.s32 $0xFFFFF800;
	(pc) =	sbr.rel @!p3 .LBB2_2-.Ltmp0, $4  }
0x39: {  	[spmem:s2] =	stream.indirect.scatter.add.f32 [tilespmem:s19], [sflag:s0], $0x10, s25, s17, $0xb8;
	[tilespmem:$0xA600] =	vst v63  }
0x3a: {  	s3 =	sshll.u32 @!p1 s1, $0xB;
	s19 =	sadd.s32 @!p1 $0x5, s1  }
0x3b: {  	p2 =	por $0x0, $0x0;
	s23 =	sadd.s32 @!p1 $0x5E00, s3;
	_ =	swait.ge @!p1 [sflag:s19], $0x800  }
0x3c: {  	s20 =	sadd.s32 @!p1 $0x1, s1;
	s0 =	simm.s32 $0x200;
	[sflag:s19] =	ssyncset.done @!p1 $0x0  }
0x3d: {  	s1 =	simm.s32 $0x2  }
0x3e: {  	s3 =	simm.s32 $0x3000;
	[sflag:s19] =	ssyncadd.s32 @!p1 $0xFFFFF800;
	s19 =	simm.s32 @!p1 $0x80  }
0x3f: {  	p3 =	sne.s32 s13, $0x2;
	p2 =	por $0x1, $0x1;
	s21 =	sand.u32 $0x3, s1  }
0x40: {  	[tilespmem:s23], [sflag:s20] =	stream.indirect.gather @!p1 [hbm4b:s4+s19], $0x10, s0, s19, $0xb8;
	[tilespmem:$0xA600] =	vst v63  }
0x41: {  	s19 =	simm.s32 $0x5;
	p1 =	sle.u32 s5, $0x5;
	s25 =	sadd.s32 $0x1, s21  }
0x42: {  	s24 =	sshll.u32 s21, $0xB;
	s23 =	sadd.s32 $0x5, s21;
	_ =	swait.ge [sflag:s25], $0x800  }
.Ltmp1:
0x43: {  	s21 =	sand.u32 @!p1 $0x3, s19;
	[sflag:s25] =	ssyncset.done $0x0;
	(pc) =	sbr.rel @!p3 .LBB2_4-.Ltmp1, $4  }
0x44: {  	s24 =	sadd.s32 $0x5E00, s24;
	s19 =	sadd.s32 @!p1 $0x5, s21;
	[sflag:s25] =	ssyncadd.s32 $0xFFFFF800  }
0x45: {  	[spmem:s2] =	stream.indirect.scatter.add.f32 [tilespmem:s24], [sflag:s23], $0x10, s3, s17, $0xb8;
	[tilespmem:$0xA600] =	vst v63  }
0x46: {  	s20 =	sadd.s32 @!p1 $0x1, s21;
	s23 =	sshll.u32 @!p1 s21, $0xB;
	_ =	swait.ge @!p1 [sflag:s19], $0x800  }
0x47: {  	s21 =	simm.s32 $0x200;
	s23 =	sadd.s32 @!p1 $0x5E00, s23;
	[sflag:s19] =	ssyncset.done @!p1 $0x0  }
.LBB2_5:
0x48: {  	s24 =	smov.u32 s1;
	s1 =	sadd.s32 $0x1, s1  }
0x49: {  	s3 =	sadd.s32 $0x80, s3;
	s21 =	sadd.s32 $0x80, s21;
	s25 =	sand.u32 $0x3, s1  }
0x4a: {  	[sflag:s19] =	ssyncadd.s32 @!p1 $0xFFFFF800;
	s19 =	simm.s32 @!p1 $0x80;
	s24 =	sadd.s32 $0x4, s24  }
0x4b: {  	p3 =	sne.s32 s13, s1;
	s6 =	sshll.u32 s25, $0xB;
	s7 =	sadd.s32 $0x1, s25  }
0x4c: {  	[tilespmem:s23], [sflag:s20] =	stream.indirect.gather @!p1 [hbm4b:s4+s19], $0x10, s21, s19, $0xb8;
	[tilespmem:$0xA600] =	vst v63  }
0x4d: {  	s20 =	sadd.s32 $0x5, s25;
	p1 =	sge.u32 s24, s5;
	_ =	swait.ge [sflag:s7], $0x800  }
.Ltmp2:
0x4e: {  	s23 =	sand.u32 @!p1 $0x3, s24;
	[sflag:s7] =	ssyncset.done $0x0;
	(pc) =	sbr.rel @p3 .LBB2_5-.Ltmp2, $4  }
0x4f: {  	s6 =	sadd.s32 $0x5E00, s6;
	s19 =	sadd.s32 @!p1 $0x5, s23;
	[sflag:s7] =	ssyncadd.s32 $0xFFFFF800  }
0x50: {  	[spmem:s2] =	stream.indirect.scatter.add.f32 [tilespmem:s6], [sflag:s20], $0x10, s3, s17, $0xb8;
	[tilespmem:$0xA600] =	vst v63  }
0x51: {  	s6 =	sshll.u32 @!p1 s23, $0xB;
	s20 =	sadd.s32 @!p1 $0x1, s23;
	_ =	swait.ge @!p1 [sflag:s19], $0x800  }
0x52: {  	s23 =	sadd.s32 @!p1 $0x5E00, s6;
	[sflag:s19] =	ssyncset.done @!p1 $0x0  }
.LBB2_6:
0x53: {  	s1 =	sadd.s32 @p2 $0x80, s21  }
0x54: {  	[sflag:s19] =	ssyncadd.s32 @!p1 $0xFFFFF800;
	s3 =	simm.s32 @!p1 $0x80;
	s0 =	smov.u32 @p2 s1  }
0x55: {  	[tilespmem:s23], [sflag:s20] =	stream.indirect.gather @!p1 [hbm4b:s4+s3], $0x10, s0, s3, $0xb8;
	[tilespmem:$0xA600] =	vst v63  }
0x56: {  	_ =	swait.ge [sflag:s26], $0x800  }
0x57: {  	[sflag:s26] =	ssyncset.done $0x0  }
0x58: {  	[sflag:s26] =	ssyncadd.s32 $0xFFFFF800  }
0x59: {  	_ =	swait.ge [sflag:s28], $0x800  }
0x5a: {  	[sflag:s28] =	ssyncset.done $0x0  }
0x5b: {  	[sflag:s28] =	ssyncadd.s32 $0xFFFFF800  }
0x5c: {  	_ =	swait.ge [sflag:s29], $0x800  }
0x5d: {  	[sflag:s29] =	ssyncset.done $0x0  }
0x5e: {  	[sflag:s29] =	ssyncadd.s32 $0xFFFFF800  }
0x5f: {  	_ =	swait.ge [sflag:s30], $0x800  }
0x60: {  	[sflag:s30] =	ssyncset.done $0x0  }
0x61: {  	s31 =	sadd.s32 $0x1, s31;
	[sflag:s30] =	ssyncadd.s32 $0xFFFFF800  }
0x62: {  	p1 =	sne.s32 s31, s12;
	[bflag:$0x0] =	sbarrier.arrive $0xFFFF  }
0x63: {  	[hbm:s11], [sflag:s14] =	dma.local [spmem:s15], $0x500  }
.Ltmp3:
0x64: {  	_ = 	snop;
	(pc) =	sbr.rel @p1 .LBB2_1-.Ltmp3, $4  }
.Ltmp4:
0x65: {  	_ = 	snop;
	(pc) =	sbr.rel @!p1 .LBB2_7-.Ltmp4, $4  }
0x66: {  	_ =	swait.ge [sflag:s16], $0x500  }
0x67: {  	[sflag:s16] =	ssyncset.done $0x0  }
0x68: {  	[sflag:s16] =	ssyncadd.s32 $0xFFFFFB00  }
0x69: {  	_ = 	snop  }
.LBB2_2:
.Ltmp5:
0x6a: {  	(pc) =	sbr.rel .LBB2_6-.Ltmp5, $2  }
0x6b: {  	_ =	sdelay $0x2  }
0x6c: {  	s21 =	simm.s32 $0x200  }
.LBB2_4:
.Ltmp6:
0x6d: {  	(pc) =	sbr.rel .LBB2_6-.Ltmp6, $2  }
0x6e: {  	_ =	sdelay $0x2  }
0x6f: {  	s21 =	simm.s32 $0x200  }
.LBB2_7:
0x70: {  	_ =	sfence.sel $0x180000  }
0x71: {  	[bflag:$0x0] =	sbarrier.arrive $0xFFFF  }
0x72: {  	_ =	strace $0x9000004D  }
0x73: {  	s0 =	stileid.u32;
	[bflag:$0x2] =	sbarrier.arrive $0xFFFF  }
0x74: {  	p0 =	sne.s32 s0, $0x0;
	s0 =	rddreg [dreg:$0x3]  }
0x75: {  	s0 =	sadd.s32 @!p0 $0x100000, s0  }
0x76: {  	[sflag:s0] =	ssyncadd.tile.s32 @!p0 $0x1;
	_ =	shalt  }
.Lfunc_end2:
_tile_overlayer_lowered:
.L_overlay_start_2:
0x77: {  	(tag) =	ssettag $0x2  }
0x78: {  	s0 =	rddreg [dreg:$0x0];
	s2 =	stileid.u32  }
0x79: {  	s1 =	rddreg [dreg:$0x1];
	p0 =	sne.s32 s2, $0x0  }
0x7a: {  	s3 =	rddreg [dreg:$0x2];
	[bflag:$0x3] =	sbarrier.arrive $0xFFFF;
	s2 =	simm.s32 @!p0 $0x1C09  }
0x7b: {  	[timem:s3], [sflag:s2] =	dma.local @!p0 [hbm:s0], s1  }
0x7c: {  	s0 =	simm.s32 @!p0 $0x9  }
0x7d: {  	_ =	swait.ge @!p0 [sflag:s0], s1  }
0x7e: {  	s1 =	ssub.s32 @!p0 $0x0, s1;
	[sflag:s0] =	ssyncset.done @!p0 $0x0  }
0x7f: {  	[sflag:s0] =	ssyncadd.s32 @!p0 s1  }
0x80: {  	[bflag:$0x3] =	sbarrier.arrive $0xFFFF  }
0x81: {  	_ =	shalt  }

// kernel: kernel.8.cloned.1.call-start
scs
__scs_entry_jumppad:
0x0: {  	(pc) =	sbr.rel $0x88, $3  }
0x1: {  	(tag) =	ssettag $0x0;
	lr =	simm.s32 $0x1  }
0x2: {  	[smem:$0x3F9B] =	sst lr;
	_ =	strace $0xD0000000  }
0x3: {  	_ = 	snop  }
0x4: {  	_ = 	snop  }
0x5: {  	_ = 	snop  }
0x6: {  	_ = 	snop  }
0x7: {  	_ = 	snop  }
__scs_overlays_trampoline_lowered:
0x8: {  	[smem:$0x3FAA] =	sst s0  }
0x9: {  	[smem:$0x3FAB] =	sst s1  }
0xa: {  	[smem:$0x3FAC] =	sst s2  }
0xb: {  	[smem:$0x3FAD] =	sst s3  }
0xc: {  	[smem:$0x3FAE] =	sst s4  }
0xd: {  	[smem:$0x3FAF] =	sst s5  }
0xe: {  	[smem:$0x3FB0] =	sst s6  }
0xf: {  	[smem:$0x3FB1] =	sst s7  }
0x10: {  	[smem:$0x3FB2] =	sst s8  }
0x11: {  	[smem:$0x3FB3] =	sst s9;
	s0 =	simm.s32 @!p0 $0x0  }
0x12: {  	s1 =	sld [smem:$0x3F99];
	s0 =	simm.s32 @p0 $0x1  }
0x13: {  	[smem:$0x3FB4] =	sst s0;
	s0 =	simm.s32 @!p1 $0x0  }
0x14: {  	s2 =	sld [smem:$0x3F98];
	s0 =	simm.s32 @p1 $0x1  }
0x15: {  	[smem:$0x3FB5] =	sst s0;
	s0 =	simm.s32 @!p2 $0x0  }
0x16: {  	s3 =	sld [smem:$0x3FDB];
	s0 =	simm.s32 @p2 $0x1  }
0x17: {  	s4 =	simm.s32 $0x1BF5;
	[smem:$0x3FB7] =	sst s0  }
0x18: {  	s0 =	sld [smem:$0x3F9A];
	_ =	swait.ge [sflag:s4], $0x0  }
0x19: {  	s7 =	sld [smem:$0x3F9B]  }
0x1a: {  	s8 =	sadd.s32 $0xFFFFE003, lr  }
0x1b: {  	s9 =	sadd.s32 $0xFFFFFEF7, lr;
	s5 =	simm.s32 $0xFFFFFFFF;
	p2 =	slt.u32 s8, $0xFFFFF086  }
0x1c: {  	p1 =	slt.u32 s9, $0xF7A;
	s5 =	simm.s32 @!p2 $0x0  }
0x1d: {  	s5 =	simm.s32 @p1 $0x1;
	p0 =	seq.s32 s7, s2  }
0x1e: {  	s7 =	smul.u32 @!p0 $0xF7A, s2;
	p2 =	seq.s32 @!p0 s5, $0x0  }
0x1f: {  	s9 =	smul.u32 $0xF7A, s1;
	s8 =	simm.s32 @!p0 $0x1BF5;
	p2 =	por !p2, p0  }
0x20: {  	[sflag:s8] =	ssyncset.s32 @!p0 $0xFFFFF086;
	s6 =	sadd.s32 @!p0 s3, s7;
	s7 =	simm.s32 @!p0 $0x108  }
0x21: {  	s3 =	sadd.s32 s3, s9;
	s6 =	sadd.s32 @!p0 $0x88, s6;
	s7 =	simm.s32 @p2 $0x1082  }
0x22: {  	[simem:s7], [sflag:s8] =	dma.local @!p0 [hbm:s6], $0xF7A  }
0x23: {  	s9 =	sor.u32 $0xD0000000, s2;
	s6 =	simm.s32 $0x108;
	_ =	swait.ge @!p0 [sflag:s8], $0x0  }
0x24: {  	s3 =	sadd.s32 $0x88, s3;
	s6 =	simm.s32 @!p1 $0x1082;
	[sflag:s4] =	ssyncset.s32 $0xFFFFF086  }
0x25: {  	[simem:s6], [sflag:s4] =	dma.local [hbm:s3], $0xF7A  }
0x26: {  	[smem:$0x3F9B] =	sst s1;
	(tag) =	ssettag s2;
	_ =	strace s9  }
0x27: {  	s1 =	sld [smem:$0x3FAB]  }
0x28: {  	s2 =	sld [smem:$0x3FAC]  }
0x29: {  	s4 =	sld [smem:$0x3FAE]  }
0x2a: {  	p0 =	seq.s32 s5, $0x0;
	s5 =	sld [smem:$0x3FAF]  }
0x2b: {  	s6 =	sld [smem:$0x3FB0]  }
0x2c: {  	s7 =	sld [smem:$0x3FB1]  }
0x2d: {  	s3 =	simm.s32 $0x108;
	s8 =	sld [smem:$0x3FB2]  }
0x2e: {  	s3 =	simm.s32 @!p0 $0x1082;
	s9 =	sld [smem:$0x3FB3]  }
0x2f: {  	lr =	sadd.s32 s0, s3;
	s0 =	sld [smem:$0x3FAA]  }
0x30: {  	s3 =	sld [smem:$0x3FAD]  }
0x31: {  	[smem:$0x3FB6] =	sst s10  }
0x32: {  	s10 =	sld [smem:$0x3FB4];
	_ =	sdelay $0x3  }
0x33: {  	p0 =	seq.s32 s10, $0x1;
	s10 =	sld [smem:$0x3FB6];
	_ =	sdelay $0x3  }
0x34: {  	[smem:$0x3FB6] =	sst s10  }
0x35: {  	s10 =	sld [smem:$0x3FB5];
	_ =	sdelay $0x3  }
0x36: {  	p1 =	seq.s32 s10, $0x1;
	s10 =	sld [smem:$0x3FB6];
	_ =	sdelay $0x3  }
0x37: {  	[smem:$0x3FB6] =	sst s10  }
0x38: {  	s10 =	sld [smem:$0x3FB7]  }
0x39: {  	_ = 	snop;
	(pc) =	sbr.ind lr, $3  }
0x3a: {  	_ = 	snop  }
0x3b: {  	_ = 	snop  }
0x3c: {  	p2 =	seq.s32 s10, $0x1;
	s10 =	sld [smem:$0x3FB6]  }
0x3d: {  	_ =	shalt  }
0x3e: {  	_ =	shalt  }
0x3f: {  	_ =	shalt  }
0x40: {  	_ =	shalt  }
0x41: {  	_ =	shalt  }
0x42: {  	_ =	shalt  }
0x43: {  	_ =	shalt  }
0x44: {  	_ =	shalt  }
0x45: {  	_ =	shalt  }
0x46: {  	_ =	shalt  }
0x47: {  	_ =	shalt  }
0x48: {  	_ =	shalt  }
0x49: {  	_ =	shalt  }
0x4a: {  	_ =	shalt  }
0x4b: {  	_ =	shalt  }
0x4c: {  	_ =	shalt  }
0x4d: {  	_ =	shalt  }
0x4e: {  	_ =	shalt  }
0x4f: {  	_ =	shalt  }
0x50: {  	_ =	shalt  }
0x51: {  	_ =	shalt  }
0x52: {  	_ =	shalt  }
0x53: {  	_ =	shalt  }
0x54: {  	_ =	shalt  }
0x55: {  	_ =	shalt  }
0x56: {  	_ =	shalt  }
0x57: {  	_ =	shalt  }
0x58: {  	_ =	shalt  }
0x59: {  	_ =	shalt  }
0x5a: {  	_ =	shalt  }
0x5b: {  	_ =	shalt  }
0x5c: {  	_ =	shalt  }
0x5d: {  	_ =	shalt  }
0x5e: {  	_ =	shalt  }
0x5f: {  	_ =	shalt  }
0x60: {  	_ =	shalt  }
0x61: {  	_ =	shalt  }
0x62: {  	_ =	shalt  }
0x63: {  	_ =	shalt  }
0x64: {  	_ =	shalt  }
0x65: {  	_ =	shalt  }
0x66: {  	_ =	shalt  }
0x67: {  	_ =	shalt  }
0x68: {  	_ =	shalt  }
0x69: {  	_ =	shalt  }
0x6a: {  	_ =	shalt  }
0x6b: {  	_ =	shalt  }
0x6c: {  	_ =	shalt  }
0x6d: {  	_ =	shalt  }
0x6e: {  	_ =	shalt  }
0x6f: {  	_ =	shalt  }
0x70: {  	_ =	shalt  }
0x71: {  	_ =	shalt  }
0x72: {  	_ =	shalt  }
0x73: {  	_ =	shalt  }
0x74: {  	_ =	shalt  }
0x75: {  	_ =	shalt  }
0x76: {  	_ =	shalt  }
0x77: {  	_ =	shalt  }
0x78: {  	_ =	shalt  }
0x79: {  	_ =	shalt  }
0x7a: {  	_ =	shalt  }
0x7b: {  	_ =	shalt  }
0x7c: {  	_ =	shalt  }
0x7d: {  	_ =	shalt  }
0x7e: {  	_ =	shalt  }
0x7f: {  	_ =	shalt  }
0x80: {  	_ =	shalt  }
0x81: {  	_ =	shalt  }
0x82: {  	_ =	shalt  }
0x83: {  	_ =	shalt  }
0x84: {  	_ =	shalt  }
0x85: {  	_ =	shalt  }
0x86: {  	_ =	shalt  }
0x87: {  	_ =	shalt  }
.Lfunc_end0:
.L_simem_size_0:
called_computation_lowered:
.L_overlay_start_0:
0x88: {  	s2 =	sld [smem:$0x3FD9]  }
0x89: {  	s3 =	sld [smem:$0x3FFE];
	_ =	sdelay $0x1  }
0x8a: {  	s1 =	srdreg.scid  }
0x8b: {  	s0 =	sand.u32 $0x1, s1  }
0x8c: {  	s17 =	sshll.u32 s0, $0xA;
	s2 =	sadd.s32 s3, s2  }
0x8d: {  	s2 =	sadd.s32 s2, s17  }
0x8e: {  	[smem:$0x3FC2] =	sst s2  }
0x8f: {  	_ = 	snop  }
0x90: {  	s2 =	sld [smem:$0x3FD0];
	(tm) =	ssettm $0x1  }
0x91: {  	s18 =	sld [smem:$0x3FFB];
	_ =	sdelay $0x3  }
0x92: {  	_ =	strace s18  }
0x93: {  	s3 =	sld [smem:$0x3FFC];
	_ =	sdelay $0x3  }
0x94: {  	_ =	strace s3  }
0x95: {  	s3 =	sld [smem:$0x3FFD];
	_ =	sdelay $0x3  }
0x96: {  	_ =	strace s3  }
0x97: {  	_ =	strace $0x8FFFFFFF  }
0x98: {  	s19 =	sld [smem:$0x3FDB];
	_ =	sdelay $0x1  }
0x99: {  	s4 =	simm.s32 $_scs_section_size  }
0x9a: {  	s5 =	simm.s32 $_size__tile_overlayer_lowered;
	s6 =	simm.s32 $_tile_overlayer_lowered  }
0x9b: {  	s22 =	simm.s32 $0x1BFF;
	s21 =	sshll.u32 s6, $0x1;
	s3 =	sadd.s32 s4, s19  }
0x9c: {  	s7 =	simm.s32 $0x0;
	s20 =	sshll.u32 s5, $0x1;
	s5 =	sadd.s32 s21, s3  }
0x9d: {  	[timem:s7], [sflag:s22] =	dma.local [hbm:s5], s20  }
0x9e: {  	_ =	swait.ge [sflag:s22], s20  }
0x9f: {  	s4 =	ssub.s32 $0x0, s20;
	[sflag:s22] =	ssyncset.done $0x0  }
0xa0: {  	[sflag:s22] =	ssyncadd.s32 s4;
	_ =	sdelay $0x1  }
0xa1: {  	s23 =	simm.s32 $0x1B8B  }
0xa2: {  	_ =	swait.ge [sflag:s23], $0x1  }
0xa3: {  	[sflag:s23] =	ssyncset.done $0x0  }
0xa4: {  	s25 =	simm.s32 $0x1B8E;
	s24 =	sld [smem:$0x3FFE];
	[sflag:s23] =	ssyncadd.s32 $0xFFFFFFFF  }
0xa5: {  	s26 =	simm.s32 $execute0_lowered;
	[smem:$0x3FD2] =	sst s25  }
0xa6: {  	s5 =	sshll.u32 s26, $0x1;
	_ =	strace $0x80000046;
	[dreg:$0x1] =	wrdreg $0xFFFFFFFF  }
0xa7: {  	s28 =	simm.s32 $_size_execute0_lowered;
	s3 =	sadd.s32 s3, s5;
	[dreg:$0x0] =	wrdreg $0x0  }
0xa8: {  	s5 =	sshll.u32 s28, $0x1;
	[dreg:$0x2] =	wrdreg s3  }
0xa9: {  	[dreg:$0x3] =	wrdreg s5  }
0xaa: {  	[dreg:$0x4] =	wrdreg $0xC0  }
0xab: {  	_ =	task [dreg:s7], $0x5FFFF  }
0xac: {  	[dreg:$0x1] =	wrdreg $0xFFFFFFFF  }
0xad: {  	[dreg:$0x0] =	wrdreg $0x60  }
0xae: {  	[dreg:$0x2] =	wrdreg s2  }
0xaf: {  	[dreg:$0x3] =	wrdreg s24  }
0xb0: {  	[dreg:$0x4] =	wrdreg $0x37000  }
0xb1: {  	[dreg:$0x5] =	wrdreg $0x9  }
0xb2: {  	_ =	task.clear_ibuf [dreg:s7], $0x6FFFF;
	_ =	strace $0x90000046  }
0xb3: {  	s29 =	simm.s32 $0x9;
	_ =	strace $0x80000048  }
0xb4: {  	_ =	swait.ge [sflag:s29], $0x1  }
0xb5: {  	[sflag:s29] =	ssyncadd.s32 $0xFFFFFFFF  }
0xb6: {  	_ =	strace $0x90000048  }
0xb7: {  	_ =	sfence  }
0xb8: {  	s30 =	sld [smem:$0x0];
	_ =	sdelay $0x2  }
0xb9: {  	s31 =	sshll.u32 s1, $0xD;
	s1 =	sshrl.u32 s1, $0x2  }
0xba: {  	s3 =	sand.u32 $0x4000, s31;
	s1 =	sadd.s32 s1, s30  }
0xbb: {  	s0 =	sor.u32 s3, s0;
	s1 =	sshll.u32 s1, $0x11  }
0xbc: {  	s0 =	sor.u32 s1, s0  }
0xbd: {  	s0 =	sadd.s32 $0x8F2B, s0  }
0xbe: {  	[sflag:s0] =	ssyncadd.remote.s32 $0x1  }
0xbf: {  	_ =	sfence.sel $0xFFFF  }
0xc0: {  	[dreg:$0x0] =	wrdreg $0xFFFFFFFF;
	(pc) =	sbr.abs _section_cstart, $3  }
0xc1: {  	[dreg:$0x1] =	wrdreg $0xFFFFFFFF  }
0xc2: {  	_ =	task.clear_ibuf [dreg:s7], $0x2FFFF;
	_ =	strace $0x9FFFFFFF  }
0xc3: {  	(tm) =	ssettm $0x7FFFFFFF  }
tec
execute0_lowered:
.L_overlay_start_1:
0x0: {  	(tag) =	ssettag $0x1  }
0x1: {  	s7 =	rddreg [dreg:$0x0]  }
0x2: {  	s5 =	rddreg [dreg:$0x1];
	s0 =	stileid.u32  }
0x3: {  	s1 =	srdreg.scid;
	s2 =	rddreg [dreg:$0x2]  }
0x4: {  	s3 =	simm.s32 $0x0;
	s15 =	simm.s32 $0x80;
	s16 =	simm.s32 $0x1  }
0x5: {  	s17 =	simm.s32 $0x2;
	s18 =	simm.s32 $0x0;
	s8 =	smul.u32 $0x2800, s0  }
0x6: {  	s11 =	sand.u32 $0x1, s1;
	s1 =	rddreg [dreg:$0x3];
	s10 =	smul.u32 $0x2100, s0  }
0x7: {  	[smem:$0x7FF] =	sst s3;
	s14 =	smul.u32 $0x5E0, s0;
	s31 =	sshll.u32 s0, $0x6  }
0x8: {  	s4 =	smul.u32 $0x28000, s11;
	_ =	strace $0x80000047;
	s29 =	ssub.s32 $0x2, s11  }
0x9: {  	p0 =	seq.s32 s11, $0x0;
	s6 =	sshrl.u32 s8, $0x3;
	s13 =	sshrl.u32 s29, $0x1  }
0xa: {  	s10 =	sshrl.u32 s10, $0x3;
	s30 =	sadd.s32 s8, s2;
	s4 =	sadd.s32 s8, s4  }
0xb: {  	s9 =	sadd.s32 s6, s5;
	s10 =	sadd.s32 s7, s10;
	s13 =	ssub.s32 s29, s13  }
0xc: {  	s7 =	sadd.s32 s7, s14;
	s14 =	simm.s32 $0x2F00;
	s28 =	sshrl.u32 s4, $0x3  }
0xd: {  	s4 =	sadd.s32 $0x6800, s5;
	s6 =	sadd.s32 $0x5E00, s10;
	s8 =	sadd.s32 $0x1800, s9  }
0xe: {  	s10 =	smax.u32 s13, $0x1;
	s12 =	sadd.s32 s28, s5;
	s5 =	simm.s32 $0x5E  }
0xf: {  	s13 =	simm.s32 $0x3;
	s5 =	simm.s32 @!p0 $0x42;
	s9 =	sadd.s32 $0x6A00, s12  }
0x10: {  	p0 =	sne.s32 s11, $0x0;
	s11 =	sor.u32 $0x1C03, s31;
	s12 =	sshrl.u32 s30, $0x3  }
.LBB2_1:
0x11: {  	s19 =	simm.s32 @p0 $0x0  }
0x12: {  	[tilespmem:s19], [sflag:$0x3] =	stream.linear.gather @p0 [hbm4b:s6+s19], $0x2100, $0x38;
	[tilespmem:$0x5F00] =	vst v63  }
0x13: {  	s19 =	simm.s32 @p0 $0x3  }
0x14: {  	_ =	swait.ge @p0 [sflag:s19], $0x2100  }
0x15: {  	[sflag:s19] =	ssyncset.done @p0 $0x0  }
0x16: {  	[sflag:s19] =	ssyncadd.s32 @p0 $0xFFFFDF00;
	s19 =	simm.s32 @!p0 $0x0  }
0x17: {  	[tilespmem:s19], [sflag:$0x3] =	stream.linear.gather @!p0 [hbm4b:s7+s19], $0x2F00, $0x38;
	[tilespmem:$0x5F00] =	vst v63  }
0x18: {  	s19 =	simm.s32 @!p0 $0x3  }
0x19: {  	_ =	swait.ge @!p0 [sflag:s19], $0x2F00  }
0x1a: {  	[sflag:s19] =	ssyncset.done @!p0 $0x0  }
0x1b: {  	[sflag:s19] =	ssyncadd.s32 @!p0 $0xFFFFD100  }
0x1c: {  	[spmem:s12], [sflag:s11] =	dma.local [hbm:s8], $0x500  }
0x1d: {  	_ =	swait.ge [sflag:s13], $0x500  }
0x1e: {  	[sflag:s13] =	ssyncset.done $0x0  }
0x1f: {  	[sflag:s13] =	ssyncadd.s32 $0xFFFFFB00  }
0x20: {  	[tilespmem:s14], [sflag:$0x3] =	stream.linear.gather [hbm4b:s4+s3], $0x800, $0x38;
	[tilespmem:$0x5F00] =	vst v63  }
0x21: {  	_ =	swait.ge [sflag:s13], $0x800  }
0x22: {  	[sflag:s13] =	ssyncset.done $0x0  }
0x23: {  	[sflag:s13] =	ssyncadd.s32 $0xFFFFF800  }
0x24: {  	s31 =	sand.u32 $0x1, s17;
	p1 =	sne.s32 s5, $0x3;
	[bflag:$0x0] =	sbarrier.arrive $0xFFFF  }
0x25: {  	[spmem:s2] =	stream.indirect.scatter.add.f32 [tilespmem:s14], [sflag:$0x1], $0x10, s3, s15, $0xb8;
	[tilespmem:$0x5F00] =	vst v63  }
.Ltmp0:
0x26: {  	s19 =	sadd.s32 $0x1, s31;
	(pc) =	sbr.rel @!p1 .LBB2_3-.Ltmp0, $4  }
0x27: {  	[spmem:s2] =	stream.indirect.scatter.add.f32 [tilespmem:s14], [sflag:$0x2], $0x10, s15, s15, $0xb8;
	[tilespmem:$0x5F00] =	vst v63  }
0x28: {  	_ =	swait.ge [sflag:s19], $0x800  }
0x29: {  	s22 =	simm.s32 $0x100;
	[sflag:s19] =	ssyncset.done $0x0  }
0x2a: {  	s20 =	simm.s32 $0x3;
	s21 =	simm.s32 $0x180;
	[sflag:s19] =	ssyncadd.s32 $0xFFFFF800  }
.LBB2_2:
0x2b: {  	[spmem:s2] =	stream.indirect.scatter.add.f32 [tilespmem:s14], [sflag:s19], $0x10, s22, s15, $0xb8;
	[tilespmem:$0x5F00] =	vst v63  }
0x2c: {  	s19 =	sand.u32 $0x1, s20;
	s20 =	sadd.s32 $0x1, s20  }
0x2d: {  	p1 =	sne.s32 s5, s20  }
.Ltmp1:
0x2e: {  	(pc) =	sbr.rel @p1 .LBB2_2-.Ltmp1, $4  }
0x2f: {  	s22 =	smov.u32 s21;
	s19 =	sadd.s32 $0x1, s19  }
0x30: {  	_ =	swait.ge [sflag:s19], $0x800  }
0x31: {  	[sflag:s19] =	ssyncset.done $0x0  }
0x32: {  	s21 =	sadd.s32 $0x80, s21;
	[sflag:s19] =	ssyncadd.s32 $0xFFFFF800  }
.LBB2_3:
0x33: {  	[spmem:s2] =	stream.indirect.scatter.add.f32 [tilespmem:s14], [sflag:s19], $0x10, s22, s15, $0xb8;
	[tilespmem:$0x5F00] =	vst v63  }
0x34: {  	_ =	swait.ge [sflag:s16], $0x800  }
0x35: {  	[sflag:s16] =	ssyncset.done $0x0  }
0x36: {  	[sflag:s16] =	ssyncadd.s32 $0xFFFFF800  }
0x37: {  	_ =	swait.ge [sflag:s17], $0x800  }
0x38: {  	s18 =	sadd.s32 $0x1, s18;
	[sflag:s17] =	ssyncset.done $0x0  }
0x39: {  	p1 =	sne.s32 s18, s10;
	[sflag:s17] =	ssyncadd.s32 $0xFFFFF800  }
.Ltmp2:
0x3a: {  	[bflag:$0x0] =	sbarrier.arrive $0xFFFF;
	(pc) =	sbr.rel @p1 .LBB2_1-.Ltmp2, $4  }
0x3b: {  	[hbm:s9], [sflag:s11] =	dma.local [spmem:s12], $0x500  }
0x3c: {  	_ =	swait.ge [sflag:s13], $0x500  }
0x3d: {  	[sflag:s13] =	ssyncset.done $0x0  }
0x3e: {  	[sflag:s13] =	ssyncadd.s32 $0xFFFFFB00  }
0x3f: {  	_ =	sfence.sel $0x180000  }
0x40: {  	[bflag:$0x0] =	sbarrier.arrive $0xFFFF  }
0x41: {  	p0 =	sne.s32 s0, $0x0;
	_ =	strace $0x90000047  }
0x42: {  	s0 =	sadd.s32 @!p0 $0x100000, s1;
	[bflag:$0x2] =	sbarrier.arrive $0xFFFF  }
0x43: {  	[sflag:s0] =	ssyncadd.tile.s32 @!p0 $0x1;
	_ =	shalt  }
.Lfunc_end2:
_tile_overlayer_lowered:
.L_overlay_start_2:
0x44: {  	(tag) =	ssettag $0x2  }
0x45: {  	s0 =	rddreg [dreg:$0x0];
	s2 =	stileid.u32  }
0x46: {  	s1 =	rddreg [dreg:$0x1];
	p0 =	sne.s32 s2, $0x0  }
0x47: {  	s3 =	rddreg [dreg:$0x2];
	[bflag:$0x3] =	sbarrier.arrive $0xFFFF;
	s2 =	simm.s32 @!p0 $0x1C03  }
0x48: {  	[timem:s3], [sflag:s2] =	dma.local @!p0 [hbm:s0], s1  }
0x49: {  	s0 =	simm.s32 @!p0 $0x3  }
0x4a: {  	_ =	swait.ge @!p0 [sflag:s0], s1  }
0x4b: {  	s1 =	ssub.s32 @!p0 $0x0, s1;
	[sflag:s0] =	ssyncset.done @!p0 $0x0  }
0x4c: {  	[sflag:s0] =	ssyncadd.s32 @!p0 s1  }
0x4d: {  	[bflag:$0x3] =	sbarrier.arrive $0xFFFF  }
0x4e: {  	_ =	shalt  }

</sc_bundles>
